<compile_context>
chip_gen: v7x
topology: tpu7x:2x2x1
jax: 0.10.2.dev20260603
libtpu: 0.0.44.dev20260713+nightly
codegen_flags: <defaults>
</compile_context>

<pallas_src>
import functools

import jax
import jax.numpy as jnp
from jax import lax
from jax.experimental import pallas as pl

EPS = 1e-5



def _fps(xyz, npoint):
    B, N, _ = xyz.shape
    def body(i, state):
        idxs, dists, farthest = state
        idxs = idxs.at[:, i].set(farthest)
        centroid = jnp.take_along_axis(xyz, farthest[:, None, None], axis=1)
        d = jnp.sum((xyz - centroid) ** 2, axis=-1)
        dists = jnp.minimum(dists, d)
        farthest = jnp.argmax(dists, axis=-1).astype(jnp.int32)
        return (idxs, dists, farthest)
    init = (jnp.zeros((B, npoint), dtype=jnp.int32),
            jnp.full((B, N), 1e10, dtype=xyz.dtype),
            jnp.zeros((B,), dtype=jnp.int32))
    idxs, _, _ = jax.lax.fori_loop(0, npoint, body, init)
    return idxs


def _ball_query(radius, nsample, xyz, new_xyz):
    N = xyz.shape[1]
    d2 = jnp.sum((new_xyz[:, :, None, :] - xyz[:, None, :, :]) ** 2, axis=-1)
    key = jnp.where(d2 < radius * radius,
                    jnp.arange(N, dtype=jnp.int32)[None, None, :], N)
    negvals, _ = jax.lax.top_k(-key, nsample)
    vals = -negvals
    first = vals[..., :1]
    return jnp.where(vals == N, first, vals).astype(jnp.int32)



def _mlp_body(nlayers, x_ref, betas_ref, *rest):
    params = rest[:nlayers * 6]
    Wf, bf, Wh, bh = rest[nlayers * 6:nlayers * 6 + 4]
    out_ref = rest[-1]

    blk = x_ref.shape[1]
    K = x_ref.shape[2]
    C = x_ref.shape[3]
    h = x_ref[0].reshape(blk * K, C)
    for li in range(nlayers):
        W, b, g, be, m, v = (params[6 * li + j][...] for j in range(6))
        h = jax.lax.dot_general(h, W, (((1,), (1,)), ((), ())),
                                preferred_element_type=jnp.float32)
        h = h + b
        h = (h - m) / jnp.sqrt(v + EPS) * g + be
        h = jax.nn.relu(h)
    cout = h.shape[-1]
    pooled = jnp.max(h.reshape(blk, K, cout), axis=1)
    bvec = betas_ref[0]
    gamma = jax.lax.dot_general(bvec, Wf[...], (((1,), (1,)), ((), ())),
                                preferred_element_type=jnp.float32) + bf[...]
    beta = jax.lax.dot_general(bvec, Wh[...], (((1,), (1,)), ((), ())),
                               preferred_element_type=jnp.float32) + bh[...]
    out_ref[0] = pooled * gamma + beta


def _mlp_pool_film(x, betas, mlp_params, film_p, rows_blk):
    B, S, K, C = x.shape
    nlayers = len(mlp_params)
    cout = mlp_params[-1][0].shape[0]
    Wf, bf, Wh, bh = film_p

    flat_params = []
    specs = []
    for (W, b, g, be, m, v) in mlp_params:
        co = W.shape[0]
        flat_params.append(W)
        specs.append(pl.BlockSpec(W.shape, lambda b_, r_: (0, 0)))
        for p in (b, g, be, m, v):
            flat_params.append(p.reshape(1, co))
            specs.append(pl.BlockSpec((1, co), lambda b_, r_: (0, 0)))
    film_flat = [Wf, bf.reshape(1, cout), Wh, bh.reshape(1, cout)]
    film_specs = [
        pl.BlockSpec(Wf.shape, lambda b_, r_: (0, 0)),
        pl.BlockSpec((1, cout), lambda b_, r_: (0, 0)),
        pl.BlockSpec(Wh.shape, lambda b_, r_: (0, 0)),
        pl.BlockSpec((1, cout), lambda b_, r_: (0, 0)),
    ]

    betas3 = betas.reshape(B, 1, 16)
    grid = (B, S // rows_blk)
    return pl.pallas_call(
        functools.partial(_mlp_body, nlayers),
        grid=grid,
        in_specs=[
            pl.BlockSpec((1, rows_blk, K, C), lambda b_, r_: (b_, r_, 0, 0)),
            pl.BlockSpec((1, 1, 16), lambda b_, r_: (b_, 0, 0)),
        ] + specs + film_specs,
        out_specs=pl.BlockSpec((1, rows_blk, cout), lambda b_, r_: (b_, r_, 0)),
        out_shape=jax.ShapeDtypeStruct((B, S, cout), jnp.float32),
    )(x, betas3, *flat_params, *film_flat)



def _global_body(nlayers, x_ref, betas_ref, *rest):
    params = rest[:nlayers * 6]
    Wf, bf, Wh, bh, fcw, fcb = rest[nlayers * 6:nlayers * 6 + 6]
    out_ref = rest[-1]

    K = x_ref.shape[1]
    C = x_ref.shape[2]
    h = x_ref[0]
    for li in range(nlayers):
        W, b, g, be, m, v = (params[6 * li + j][...] for j in range(6))
        h = jax.lax.dot_general(h, W, (((1,), (1,)), ((), ())),
                                preferred_element_type=jnp.float32)
        h = h + b
        h = (h - m) / jnp.sqrt(v + EPS) * g + be
        h = jax.nn.relu(h)
    pooled = jnp.max(h, axis=0, keepdims=True)
    bvec = betas_ref[0]
    gamma = jax.lax.dot_general(bvec, Wf[...], (((1,), (1,)), ((), ())),
                                preferred_element_type=jnp.float32) + bf[...]
    beta = jax.lax.dot_general(bvec, Wh[...], (((1,), (1,)), ((), ())),
                               preferred_element_type=jnp.float32) + bh[...]
    f = pooled * gamma + beta
    out = jax.lax.dot_general(f, fcw[...], (((1,), (1,)), ((), ())),
                              preferred_element_type=jnp.float32) + fcb[...]
    out_ref[0] = out


def _global_stage(x, betas, mlp_params, film_p, fc_w, fc_b):
    B, K, C = x.shape
    nlayers = len(mlp_params)
    cout = mlp_params[-1][0].shape[0]
    nout = fc_w.shape[0]
    Wf, bf, Wh, bh = film_p

    flat_params = []
    specs = []
    for (W, b, g, be, m, v) in mlp_params:
        co = W.shape[0]
        flat_params.append(W)
        specs.append(pl.BlockSpec(W.shape, lambda b_: (0, 0)))
        for p in (b, g, be, m, v):
            flat_params.append(p.reshape(1, co))
            specs.append(pl.BlockSpec((1, co), lambda b_: (0, 0)))
    tail_flat = [Wf, bf.reshape(1, cout), Wh, bh.reshape(1, cout),
                 fc_w, fc_b.reshape(1, nout)]
    tail_specs = [
        pl.BlockSpec(Wf.shape, lambda b_: (0, 0)),
        pl.BlockSpec((1, cout), lambda b_: (0, 0)),
        pl.BlockSpec(Wh.shape, lambda b_: (0, 0)),
        pl.BlockSpec((1, cout), lambda b_: (0, 0)),
        pl.BlockSpec(fc_w.shape, lambda b_: (0, 0)),
        pl.BlockSpec((1, nout), lambda b_: (0, 0)),
    ]

    betas3 = betas.reshape(B, 1, 16)
    out = pl.pallas_call(
        functools.partial(_global_body, nlayers),
        grid=(B,),
        in_specs=[
            pl.BlockSpec((1, K, C), lambda b_: (b_, 0, 0)),
            pl.BlockSpec((1, 1, 16), lambda b_: (b_, 0, 0)),
        ] + specs + tail_specs,
        out_specs=pl.BlockSpec((1, 1, nout), lambda b_: (b_, 0, 0)),
        out_shape=jax.ShapeDtypeStruct((B, 1, nout), jnp.float32),
    )(x, betas3, *flat_params, *tail_flat)
    return out.reshape(B, nout)




def _fps_body(npoint, NBIG, pts_ref, cent_ref, fidx_ref):
    x = pts_ref[0, 0]
    y = pts_ref[0, 1]
    z = pts_ref[0, 2]
    R, C = x.shape
    iot = (lax.broadcasted_iota(jnp.int32, (R, C), 0) * C
           + lax.broadcasted_iota(jnp.int32, (R, C), 1))
    col = lax.broadcasted_iota(jnp.int32, (3, npoint), 1)
    coli = lax.broadcasted_iota(jnp.int32, (1, npoint), 1)

    def body(i, st):
        dist, far, cent, idxs = st
        fm = (iot == far).astype(jnp.float32)
        cx = jnp.sum(x * fm)
        cy = jnp.sum(y * fm)
        cz = jnp.sum(z * fm)
        dxv = x - cx
        dyv = y - cy
        dzv = z - cz
        d = (dxv * dxv + dyv * dyv) + dzv * dzv
        dist = jnp.minimum(dist, d)
        m = jnp.max(dist)
        far_next = jnp.min(jnp.where(dist == m, iot, NBIG))
        cvals = jnp.concatenate(
            [jnp.full((1, 1), cx), jnp.full((1, 1), cy), jnp.full((1, 1), cz)],
            axis=0)
        cent = jnp.where(col == i, cvals, cent)
        idxs = jnp.where(coli == i, far, idxs)
        return (dist, far_next, cent, idxs)

    init = (jnp.full((R, C), 1e10, jnp.float32), jnp.int32(0),
            jnp.zeros((3, npoint), jnp.float32),
            jnp.zeros((1, npoint), jnp.int32))
    _, _, cent, idxs = lax.fori_loop(0, npoint, body, init)
    cent_ref[0] = cent
    fidx_ref[0] = idxs


def _fps_pallas(xyzT, npoint, R, C):
    B = xyzT.shape[0]
    N = R * C
    pts = xyzT.reshape(B, 3, R, C)
    cent, fidx = pl.pallas_call(
        functools.partial(_fps_body, npoint, N),
        grid=(B,),
        in_specs=[pl.BlockSpec((1, 3, R, C), lambda b_: (b_, 0, 0, 0))],
        out_specs=[
            pl.BlockSpec((1, 3, npoint), lambda b_: (b_, 0, 0)),
            pl.BlockSpec((1, 1, npoint), lambda b_: (b_, 0, 0)),
        ],
        out_shape=[
            jax.ShapeDtypeStruct((B, 3, npoint), jnp.float32),
            jax.ShapeDtypeStruct((B, 1, npoint), jnp.int32),
        ],
    )(pts)
    return cent, fidx


def kernel(pointcloud, betas, sa1, sa2, sa3, film_params, fc_w, fc_b):
    xyz = pointcloud

    cent1, _ = _fps_pallas(jnp.transpose(xyz, (0, 2, 1)), 512, 128, 128)
    new_xyz = jnp.transpose(cent1, (0, 2, 1))
    idx = _ball_query(0.2, 64, xyz, new_xyz)
    grouped_xyz = jnp.take_along_axis(xyz[:, None, :, :], idx[..., None], axis=2) - new_xyz[:, :, None, :]
    grouped_abs = jnp.take_along_axis(xyz[:, None, :, :], idx[..., None], axis=2)
    x = jnp.concatenate([grouped_xyz, grouped_abs], axis=-1)
    f1 = _mlp_pool_film(x, betas, sa1, film_params[0], rows_blk=64)

    xyz1 = new_xyz
    cent2, _ = _fps_pallas(jnp.transpose(xyz1, (0, 2, 1)), 256, 8, 64)
    new_xyz2 = jnp.transpose(cent2, (0, 2, 1))
    idx2 = _ball_query(0.4, 64, xyz1, new_xyz2)
    g_xyz2 = jnp.take_along_axis(xyz1[:, None, :, :], idx2[..., None], axis=2) - new_xyz2[:, :, None, :]
    g_f2 = jnp.take_along_axis(f1[:, None, :, :], idx2[..., None], axis=2)
    x2 = jnp.concatenate([g_xyz2, g_f2], axis=-1)
    f2 = _mlp_pool_film(x2, betas, sa2, film_params[1], rows_blk=64)

    x3 = jnp.concatenate([new_xyz2, f2], axis=-1)
    return _global_stage(x3, betas, sa3, film_params[2], fc_w, fc_b)

# --- scband reference (transcript-rebuilt; emitter-appended) ---
"""Pipeline reference for scband-pcencoder-34909494182010 (READ-ONLY COPY).

The authoritative reference and input builder live on the scoring server;
editing this copy changes nothing except your own understanding.
"""

import jax, jax.numpy as jnp
import numpy as np

EPS = 1e-5

def fps(xyz, npoint):
    xyz = jax.lax.stop_gradient(xyz)
    B, N, _ = xyz.shape
    def body(i, state):
        idxs, dists, farthest = state
        idxs = idxs.at[:, i].set(farthest)
        centroid = jnp.take_along_axis(xyz, farthest[:, None, None], axis=1)
        d = jnp.sum((xyz - centroid) ** 2, axis=-1)
        dists = jnp.minimum(dists, d)
        farthest = jnp.argmax(dists, axis=-1).astype(jnp.int32)
        return (idxs, dists, farthest)
    init = (jnp.zeros((B, npoint), dtype=jnp.int32),
            jnp.full((B, N), 1e10, dtype=xyz.dtype),
            jnp.zeros((B,), dtype=jnp.int32))
    idxs, _, _ = jax.lax.fori_loop(0, npoint, body, init)
    return idxs

def ball_query(radius, nsample, xyz, new_xyz):
    xyz = jax.lax.stop_gradient(xyz)
    new_xyz = jax.lax.stop_gradient(new_xyz)
    N = xyz.shape[1]
    d2 = jnp.sum((new_xyz[:, :, None, :] - xyz[:, None, :, :]) ** 2, axis=-1)
    key = jnp.where(d2 < radius * radius, jnp.arange(N, dtype=jnp.int32)[None, None, :], N)
    negvals, _ = jax.lax.top_k(-key, nsample)
    vals = -negvals
    first = vals[..., :1]
    return jnp.where(vals == N, first, vals).astype(jnp.int32)

def apply_mlp(x, params):
    for (W, b, g, be, m, v) in params:
        x = jnp.einsum('bskc,oc->bsko', x, W) + b
        x = (x - m) / jnp.sqrt(v + EPS) * g + be
        x = jax.nn.relu(x)
    return x

def sa_module(xyz, features, npoint, radius, nsample, mlp_params):
    feats = jnp.transpose(features, (0, 2, 1))
    if npoint is not None:
        fidx = fps(xyz, npoint)
        new_xyz = jnp.take_along_axis(xyz, fidx[..., None].astype(jnp.int32), axis=1)
        idx = ball_query(radius, nsample, xyz, new_xyz)
        grouped_xyz = jnp.take_along_axis(xyz[:, None, :, :], idx[..., None], axis=2) - new_xyz[:, :, None, :]
        grouped_feats = jnp.take_along_axis(feats[:, None, :, :], idx[..., None], axis=2)
        x = jnp.concatenate([grouped_xyz, grouped_feats], axis=-1)
    else:
        new_xyz = None
        x = jnp.concatenate([xyz, feats], axis=-1)[:, None, :, :]
    x = apply_mlp(x, mlp_params)
    newf = jnp.max(x, axis=2)
    return new_xyz, jnp.transpose(newf, (0, 2, 1))

def film(betas, f_bsc, p):
    Wf, bf, Wh, bh = p
    gamma = betas @ Wf.T + bf
    beta = betas @ Wh.T + bh
    return f_bsc * gamma[:, None, :] + beta[:, None, :]

def _mk_mlp(key, channels):
    params = []
    for cin, cout in zip(channels[:-1], channels[1:]):
        key, k1 = jax.random.split(key)
        W = jax.random.normal(k1, (cout, cin), dtype=jnp.float32) / np.sqrt(cin)
        params.append((W, jnp.zeros((cout,)), jnp.ones((cout,)), jnp.zeros((cout,)), jnp.zeros((cout,)), jnp.ones((cout,))))
    return key, params

def _mk_lin(key, cin, cout):
    key, k1 = jax.random.split(key)
    return key, (jax.random.normal(k1, (cout, cin), dtype=jnp.float32) / np.sqrt(cin), jnp.zeros((cout,), dtype=jnp.float32))

def setup_inputs(seed: int = 0):
    key = jax.random.key(seed)
    key, k1, k2 = jax.random.split(key, 3)
    pointcloud = jax.random.uniform(k1, (8, 16384, 3), dtype=jnp.float32)
    betas = jax.random.normal(k2, (8, 16), dtype=jnp.float32)
    key, sa1 = _mk_mlp(key, [6, 64, 64, 128])
    key, sa2 = _mk_mlp(key, [131, 128, 128, 256])
    key, sa3 = _mk_mlp(key, [259, 256, 512, 1024])
    film_params = []
    for c in (128, 256, 1024):
        key, (Wf, bf) = _mk_lin(key, 16, c)
        key, (Wh, bh) = _mk_lin(key, 16, c)
        film_params.append((Wf, bf, Wh, bh))
    key, (fc_w, fc_b) = _mk_lin(key, 1024, 256)
    return {"pointcloud": pointcloud, "betas": betas, "sa1": sa1, "sa2": sa2, "sa3": sa3, "film_params": film_params, "fc_w": fc_w, "fc_b": fc_b}

def reference(pointcloud, betas, sa1, sa2, sa3, film_params, fc_w, fc_b):
    xyz = pointcloud
    features = jnp.transpose(pointcloud, (0, 2, 1))
    specs = [(512, 0.2, 64, sa1), (256, 0.4, 64, sa2), (None, None, None, sa3)]
    for (npoint, radius, nsample, mp), fp in zip(specs, film_params):
        xyz, features = sa_module(xyz, features, npoint, radius, nsample, mp)
        f_bsc = film(betas, jnp.transpose(features, (0, 2, 1)), fp)
        features = jnp.transpose(f_bsc, (0, 2, 1))
    return jnp.squeeze(features, axis=-1) @ fc_w.T + fc_b

if __name__ == "__main__":
    import jax
    _d = setup_inputs()
    print(jax.jit(kernel)(*tuple(_d.values())))

</pallas_src>

<mosaic_0001>
module attributes {stable_mosaic.version = 14 : i64} {
  func.func @_fps_body(%arg0: i32, %arg1: memref<1x3x128x128xf32, #tpu.memory_space<vmem>>, %arg2: memref<1x3x512xf32, #tpu.memory_space<vmem>>, %arg3: memref<1x1x512xi32, #tpu.memory_space<vmem>>) attributes {dimension_semantics = [#tpu.dimension_semantics<arbitrary>], iteration_bounds = array<i64: 8>, scalar_prefetch = 0 : i64, scratch_operands = 0 : i64, tpu.core_type = #tpu.core_type<tc>, window_params = [{transform_indices = @transform_0, window_bounds = array<i64: 1, 3, 128, 128>}, {transform_indices = @transform_1, window_bounds = array<i64: 1, 3, 512>}, {transform_indices = @transform_2, window_bounds = array<i64: 1, 1, 512>}]} {
    %get3A = arith.constant 0 : index
    %get3A_0 = arith.constant 0 : index
    %get3A_1 = arith.constant 0 : index
    %get3A_2 = arith.constant 0 : index
    %get3A_3 = vector.load %arg1[%get3A, %get3A_0, %get3A_1, %get3A_2] : memref<1x3x128x128xf32, #tpu.memory_space<vmem>>, vector<1x1x128x128xf32>
    %get3A_4 = vector.shape_cast %get3A_3 : vector<1x1x128x128xf32> to vector<128x128xf32>
    %get3A_5 = arith.constant 0 : index
    %get3A_6 = arith.constant 1 : index
    %get3A_7 = arith.constant 0 : index
    %get3A_8 = arith.constant 0 : index
    %get3A_9 = vector.load %arg1[%get3A_5, %get3A_6, %get3A_7, %get3A_8] : memref<1x3x128x128xf32, #tpu.memory_space<vmem>>, vector<1x1x128x128xf32>
    %get3A_10 = vector.shape_cast %get3A_9 : vector<1x1x128x128xf32> to vector<128x128xf32>
    %get3A_11 = arith.constant 0 : index
    %get3A_12 = arith.constant 2 : index
    %get3A_13 = arith.constant 0 : index
    %get3A_14 = arith.constant 0 : index
    %get3A_15 = vector.load %arg1[%get3A_11, %get3A_12, %get3A_13, %get3A_14] : memref<1x3x128x128xf32, #tpu.memory_space<vmem>>, vector<1x1x128x128xf32>
    %get3A_16 = vector.shape_cast %get3A_15 : vector<1x1x128x128xf32> to vector<128x128xf32>
    %iota3A = tpu.iota {dimensions = array<i32: 0>} : vector<128x128xi32>
    %mul3A = arith.constant 128 : i32
    %mul3A_17 = vector.broadcast %mul3A : i32 to vector<128x128xi32>
    %mul3A_18 = arith.muli %iota3A, %mul3A_17 : vector<128x128xi32>
    %iota3A_19 = tpu.iota {dimensions = array<i32: 1>} : vector<128x128xi32>
    %add3A = arith.addi %mul3A_18, %iota3A_19 : vector<128x128xi32>
    %iota3A_20 = tpu.iota {dimensions = array<i32: 1>} : vector<3x512xi32>
    %iota3A_21 = tpu.iota {dimensions = array<i32: 1>} : vector<1x512xi32>
    %broadcast_in_dim3A = arith.constant 1.000000e+10 : f32
    %broadcast_in_dim3A_22 = vector.broadcast %broadcast_in_dim3A : f32 to vector<128x128xf32>
    %broadcast_in_dim3A_23 = arith.constant 0.000000e+00 : f32
    %broadcast_in_dim3A_24 = vector.broadcast %broadcast_in_dim3A_23 : f32 to vector<3x512xf32>
    %broadcast_in_dim3A_25 = arith.constant 0 : i32
    %broadcast_in_dim3A_26 = vector.broadcast %broadcast_in_dim3A_25 : i32 to vector<1x512xi32>
    %scan3A = arith.constant 0 : i32
    %scan3A_27 = arith.constant 0 : i32
    %scan3A_28 = arith.constant 512 : i32
    %scan3A_29 = arith.addi %scan3A_27, %scan3A_28 : i32
    %scan3A_30 = arith.constant 1 : i32
    %scan3A_31:4 = scf.for %scan3A_44 = %scan3A_27 to %scan3A_29 step %scan3A_30 iter_args(%scan3A_45 = %broadcast_in_dim3A_22, %scan3A_46 = %scan3A, %scan3A_47 = %broadcast_in_dim3A_24, %scan3A_48 = %broadcast_in_dim3A_26) -> (vector<128x128xf32>, i32, vector<3x512xf32>, vector<1x512xi32>)  : i32 {
      %eq3A = vector.broadcast %scan3A_46 : i32 to vector<128x128xi32>
      %eq3A_49 = arith.cmpi eq, %add3A, %eq3A : vector<128x128xi32>
      %convert_element_type3A = arith.extui %eq3A_49 : vector<128x128xi1> to vector<128x128xi32>
      %convert_element_type3A_50 = arith.sitofp %convert_element_type3A : vector<128x128xi32> to vector<128x128xf32>
      %mul3A_51 = arith.mulf %get3A_4, %convert_element_type3A_50 : vector<128x128xf32>
      %reduce_sum3A = vector.shape_cast %mul3A_51 : vector<128x128xf32> to vector<1x128x128xf32>
      %reduce_sum3A_52 = arith.constant dense<0.000000e+00> : vector<1xf32>
      %reduce_sum3A_53 = vector.multi_reduction <add>, %reduce_sum3A, %reduce_sum3A_52 [1, 2] : vector<1x128x128xf32> to vector<1xf32>
      %reduce_sum3A_54 = vector.shape_cast %reduce_sum3A_53 : vector<1xf32> to vector<1x1x1xf32>
      %reduce_sum3A_55 = vector.extract %reduce_sum3A_54[0, 0, 0] : f32 from vector<1x1x1xf32>
      %mul3A_56 = arith.mulf %get3A_10, %convert_element_type3A_50 : vector<128x128xf32>
      %reduce_sum3A_57 = vector.shape_cast %mul3A_56 : vector<128x128xf32> to vector<1x128x128xf32>
      %reduce_sum3A_58 = arith.constant dense<0.000000e+00> : vector<1xf32>
      %reduce_sum3A_59 = vector.multi_reduction <add>, %reduce_sum3A_57, %reduce_sum3A_58 [1, 2] : vector<1x128x128xf32> to vector<1xf32>
      %reduce_sum3A_60 = vector.shape_cast %reduce_sum3A_59 : vector<1xf32> to vector<1x1x1xf32>
      %reduce_sum3A_61 = vector.extract %reduce_sum3A_60[0, 0, 0] : f32 from vector<1x1x1xf32>
      %mul3A_62 = arith.mulf %get3A_16, %convert_element_type3A_50 : vector<128x128xf32>
      %reduce_sum3A_63 = vector.shape_cast %mul3A_62 : vector<128x128xf32> to vector<1x128x128xf32>
      %reduce_sum3A_64 = arith.constant dense<0.000000e+00> : vector<1xf32>
      %reduce_sum3A_65 = vector.multi_reduction <add>, %reduce_sum3A_63, %reduce_sum3A_64 [1, 2] : vector<1x128x128xf32> to vector<1xf32>
      %reduce_sum3A_66 = vector.shape_cast %reduce_sum3A_65 : vector<1xf32> to vector<1x1x1xf32>
      %reduce_sum3A_67 = vector.extract %reduce_sum3A_66[0, 0, 0] : f32 from vector<1x1x1xf32>
      %sub3A = vector.broadcast %reduce_sum3A_55 : f32 to vector<128x128xf32>
      %sub3A_68 = arith.subf %get3A_4, %sub3A : vector<128x128xf32>
      %sub3A_69 = vector.broadcast %reduce_sum3A_61 : f32 to vector<128x128xf32>
      %sub3A_70 = arith.subf %get3A_10, %sub3A_69 : vector<128x128xf32>
      %sub3A_71 = vector.broadcast %reduce_sum3A_67 : f32 to vector<128x128xf32>
      %sub3A_72 = arith.subf %get3A_16, %sub3A_71 : vector<128x128xf32>
      %mul3A_73 = arith.mulf %sub3A_68, %sub3A_68 : vector<128x128xf32>
      %mul3A_74 = arith.mulf %sub3A_70, %sub3A_70 : vector<128x128xf32>
      %add3A_75 = arith.addf %mul3A_73, %mul3A_74 : vector<128x128xf32>
      %mul3A_76 = arith.mulf %sub3A_72, %sub3A_72 : vector<128x128xf32>
      %add3A_77 = arith.addf %add3A_75, %mul3A_76 : vector<128x128xf32>
      %min3A = arith.minimumf %scan3A_45, %add3A_77 : vector<128x128xf32>
      %reduce_max3A = vector.shape_cast %min3A : vector<128x128xf32> to vector<1x128x128xf32>
      %reduce_max3A_78 = arith.constant dense<0xFF800000> : vector<1xf32>
      %reduce_max3A_79 = vector.multi_reduction <maximumf>, %reduce_max3A, %reduce_max3A_78 [1, 2] : vector<1x128x128xf32> to vector<1xf32>
      %reduce_max3A_80 = vector.shape_cast %reduce_max3A_79 : vector<1xf32> to vector<1x1x1xf32>
      %reduce_max3A_81 = vector.extract %reduce_max3A_80[0, 0, 0] : f32 from vector<1x1x1xf32>
      %eq3A_82 = vector.broadcast %reduce_max3A_81 : f32 to vector<128x128xf32>
      %eq3A_83 = arith.cmpf oeq, %min3A, %eq3A_82 : vector<128x128xf32>
      %jit3A = arith.constant 16384 : i32
      %broadcast_in_dim3A_84 = vector.broadcast %jit3A : i32 to vector<128x128xi32>
      %select_n3A = arith.select %eq3A_83, %add3A, %broadcast_in_dim3A_84 : vector<128x128xi1>, vector<128x128xi32>
      %reduce_min3A = vector.shape_cast %select_n3A : vector<128x128xi32> to vector<1x128x128xi32>
      %reduce_min3A_85 = arith.constant dense<2147483647> : vector<1xi32>
      %reduce_min3A_86 = vector.multi_reduction <minsi>, %reduce_min3A, %reduce_min3A_85 [1, 2] : vector<1x128x128xi32> to vector<1xi32>
      %reduce_min3A_87 = vector.shape_cast %reduce_min3A_86 : vector<1xi32> to vector<1x1x1xi32>
      %reduce_min3A_88 = vector.extract %reduce_min3A_87[0, 0, 0] : i32 from vector<1x1x1xi32>
      %broadcast_in_dim3A_89 = vector.broadcast %reduce_sum3A_55 : f32 to vector<1x1xf32>
      %broadcast_in_dim3A_90 = vector.broadcast %reduce_sum3A_61 : f32 to vector<1x1xf32>
      %broadcast_in_dim3A_91 = vector.broadcast %reduce_sum3A_67 : f32 to vector<1x1xf32>
      %concatenate3A = tpu.concatenate %broadcast_in_dim3A_89, %broadcast_in_dim3A_90, %broadcast_in_dim3A_91 in 0 : vector<1x1xf32>, vector<1x1xf32>, vector<1x1xf32> -> vector<3x1xf32>
      %eq3A_92 = vector.broadcast %scan3A_44 : i32 to vector<3x512xi32>
      %eq3A_93 = arith.cmpi eq, %iota3A_20, %eq3A_92 : vector<3x512xi32>
      %broadcast_in_dim3A_94 = vector.shape_cast %concatenate3A : vector<3x1xf32> to vector<3x1xf32>
      %broadcast_in_dim3A_95 = vector.broadcast %broadcast_in_dim3A_94 : vector<3x1xf32> to vector<3x512xf32>
      %select_n3A_96 = arith.select %eq3A_93, %broadcast_in_dim3A_95, %scan3A_47 : vector<3x512xi1>, vector<3x512xf32>
      %eq3A_97 = vector.broadcast %scan3A_44 : i32 to vector<1x512xi32>
      %eq3A_98 = arith.cmpi eq, %iota3A_21, %eq3A_97 : vector<1x512xi32>
      %broadcast_in_dim3A_99 = vector.broadcast %scan3A_46 : i32 to vector<1x512xi32>
      %select_n3A_100 = arith.select %eq3A_98, %broadcast_in_dim3A_99, %scan3A_48 : vector<1x512xi1>, vector<1x512xi32>
      scf.yield %min3A, %reduce_min3A_88, %select_n3A_96, %select_n3A_100 : vector<128x128xf32>, i32, vector<3x512xf32>, vector<1x512xi32>
    }
    %scan3A_32 = arith.constant 512 : i32
    %swap3A = arith.constant 0 : index
    %swap3A_33 = arith.constant 0 : index
    %swap3A_34 = arith.constant 0 : index
    %swap3A_35 = vector.load %arg2[%swap3A, %swap3A_33, %swap3A_34] : memref<1x3x512xf32, #tpu.memory_space<vmem>>, vector<1x3x512xf32>
    %swap3A_36 = vector.shape_cast %swap3A_35 : vector<1x3x512xf32> to vector<3x512xf32>
    %swap3A_37 = vector.shape_cast %scan3A_31#2 : vector<3x512xf32> to vector<1x3x512xf32>
    tpu.vector_store %arg2[%swap3A, %swap3A_33, %swap3A_34], %swap3A_37 {strides = array<i32>} : memref<1x3x512xf32, #tpu.memory_space<vmem>>, vector<1x3x512xf32>,
    %swap3A_38 = arith.constant 0 : index
    %swap3A_39 = arith.constant 0 : index
    %swap3A_40 = arith.constant 0 : index
    %swap3A_41 = vector.load %arg3[%swap3A_38, %swap3A_39, %swap3A_40] : memref<1x1x512xi32, #tpu.memory_space<vmem>>, vector<1x1x512xi32>
    %swap3A_42 = vector.shape_cast %swap3A_41 : vector<1x1x512xi32> to vector<1x512xi32>
    %swap3A_43 = vector.shape_cast %scan3A_31#3 : vector<1x512xi32> to vector<1x1x512xi32>
    tpu.vector_store %arg3[%swap3A_38, %swap3A_39, %swap3A_40], %swap3A_43 {strides = array<i32>} : memref<1x1x512xi32, #tpu.memory_space<vmem>>, vector<1x1x512xi32>,
    return
  }
  func.func @transform_0(%arg0: i32) -> (i32, i32, i32, i32) {
    %c0_i32 = arith.constant 0 : i32
    %c0_i32_0 = arith.constant 0 : i32
    %c0_i32_1 = arith.constant 0 : i32
    %c0_i32_2 = arith.constant 0 : i32
    return %arg0, %c0_i32, %c0_i32_0, %c0_i32_1 : i32, i32, i32, i32
  }
  func.func @transform_1(%arg0: i32) -> (i32, i32, i32) {
    %c0_i32 = arith.constant 0 : i32
    %c0_i32_0 = arith.constant 0 : i32
    %c0_i32_1 = arith.constant 0 : i32
    return %arg0, %c0_i32, %c0_i32_0 : i32, i32, i32
  }
  func.func @transform_2(%arg0: i32) -> (i32, i32, i32) {
    %c0_i32 = arith.constant 0 : i32
    %c0_i32_0 = arith.constant 0 : i32
    %c0_i32_1 = arith.constant 0 : i32
    return %arg0, %c0_i32, %c0_i32_0 : i32, i32, i32
  }
}

module attributes {stable_mosaic.version = 14 : i64} {
  func.func @_fps_body(%arg0: i32, %arg1: memref<1x3x8x64xf32, #tpu.memory_space<vmem>>, %arg2: memref<1x3x256xf32, #tpu.memory_space<vmem>>, %arg3: memref<1x1x256xi32, #tpu.memory_space<vmem>>) attributes {dimension_semantics = [#tpu.dimension_semantics<arbitrary>], iteration_bounds = array<i64: 8>, scalar_prefetch = 0 : i64, scratch_operands = 0 : i64, tpu.core_type = #tpu.core_type<tc>, window_params = [{transform_indices = @transform_0, window_bounds = array<i64: 1, 3, 8, 64>}, {transform_indices = @transform_1, window_bounds = array<i64: 1, 3, 256>}, {transform_indices = @transform_2, window_bounds = array<i64: 1, 1, 256>}]} {
    %get3A = arith.constant 0 : index
    %get3A_0 = arith.constant 0 : index
    %get3A_1 = arith.constant 0 : index
    %get3A_2 = arith.constant 0 : index
    %get3A_3 = vector.load %arg1[%get3A, %get3A_0, %get3A_1, %get3A_2] : memref<1x3x8x64xf32, #tpu.memory_space<vmem>>, vector<1x1x8x64xf32>
    %get3A_4 = vector.shape_cast %get3A_3 : vector<1x1x8x64xf32> to vector<8x64xf32>
    %get3A_5 = arith.constant 0 : index
    %get3A_6 = arith.constant 1 : index
    %get3A_7 = arith.constant 0 : index
    %get3A_8 = arith.constant 0 : index
    %get3A_9 = vector.load %arg1[%get3A_5, %get3A_6, %get3A_7, %get3A_8] : memref<1x3x8x64xf32, #tpu.memory_space<vmem>>, vector<1x1x8x64xf32>
    %get3A_10 = vector.shape_cast %get3A_9 : vector<1x1x8x64xf32> to vector<8x64xf32>
    %get3A_11 = arith.constant 0 : index
    %get3A_12 = arith.constant 2 : index
    %get3A_13 = arith.constant 0 : index
    %get3A_14 = arith.constant 0 : index
    %get3A_15 = vector.load %arg1[%get3A_11, %get3A_12, %get3A_13, %get3A_14] : memref<1x3x8x64xf32, #tpu.memory_space<vmem>>, vector<1x1x8x64xf32>
    %get3A_16 = vector.shape_cast %get3A_15 : vector<1x1x8x64xf32> to vector<8x64xf32>
    %iota3A = tpu.iota {dimensions = array<i32: 0>} : vector<8x64xi32>
    %mul3A = arith.constant 64 : i32
    %mul3A_17 = vector.broadcast %mul3A : i32 to vector<8x64xi32>
    %mul3A_18 = arith.muli %iota3A, %mul3A_17 : vector<8x64xi32>
    %iota3A_19 = tpu.iota {dimensions = array<i32: 1>} : vector<8x64xi32>
    %add3A = arith.addi %mul3A_18, %iota3A_19 : vector<8x64xi32>
    %iota3A_20 = tpu.iota {dimensions = array<i32: 1>} : vector<3x256xi32>
    %iota3A_21 = tpu.iota {dimensions = array<i32: 1>} : vector<1x256xi32>
    %broadcast_in_dim3A = arith.constant 1.000000e+10 : f32
    %broadcast_in_dim3A_22 = vector.broadcast %broadcast_in_dim3A : f32 to vector<8x64xf32>
    %broadcast_in_dim3A_23 = arith.constant 0.000000e+00 : f32
    %broadcast_in_dim3A_24 = vector.broadcast %broadcast_in_dim3A_23 : f32 to vector<3x256xf32>
    %broadcast_in_dim3A_25 = arith.constant 0 : i32
    %broadcast_in_dim3A_26 = vector.broadcast %broadcast_in_dim3A_25 : i32 to vector<1x256xi32>
    %scan3A = arith.constant 0 : i32
    %scan3A_27 = arith.constant 0 : i32
    %scan3A_28 = arith.constant 256 : i32
    %scan3A_29 = arith.addi %scan3A_27, %scan3A_28 : i32
    %scan3A_30 = arith.constant 1 : i32
    %scan3A_31:4 = scf.for %scan3A_44 = %scan3A_27 to %scan3A_29 step %scan3A_30 iter_args(%scan3A_45 = %broadcast_in_dim3A_22, %scan3A_46 = %scan3A, %scan3A_47 = %broadcast_in_dim3A_24, %scan3A_48 = %broadcast_in_dim3A_26) -> (vector<8x64xf32>, i32, vector<3x256xf32>, vector<1x256xi32>)  : i32 {
      %eq3A = vector.broadcast %scan3A_46 : i32 to vector<8x64xi32>
      %eq3A_49 = arith.cmpi eq, %add3A, %eq3A : vector<8x64xi32>
      %convert_element_type3A = arith.extui %eq3A_49 : vector<8x64xi1> to vector<8x64xi32>
      %convert_element_type3A_50 = arith.sitofp %convert_element_type3A : vector<8x64xi32> to vector<8x64xf32>
      %mul3A_51 = arith.mulf %get3A_4, %convert_element_type3A_50 : vector<8x64xf32>
      %reduce_sum3A = vector.shape_cast %mul3A_51 : vector<8x64xf32> to vector<1x8x64xf32>
      %reduce_sum3A_52 = arith.constant dense<0.000000e+00> : vector<1xf32>
      %reduce_sum3A_53 = vector.multi_reduction <add>, %reduce_sum3A, %reduce_sum3A_52 [1, 2] : vector<1x8x64xf32> to vector<1xf32>
      %reduce_sum3A_54 = vector.shape_cast %reduce_sum3A_53 : vector<1xf32> to vector<1x1x1xf32>
      %reduce_sum3A_55 = vector.extract %reduce_sum3A_54[0, 0, 0] : f32 from vector<1x1x1xf32>
      %mul3A_56 = arith.mulf %get3A_10, %convert_element_type3A_50 : vector<8x64xf32>
      %reduce_sum3A_57 = vector.shape_cast %mul3A_56 : vector<8x64xf32> to vector<1x8x64xf32>
      %reduce_sum3A_58 = arith.constant dense<0.000000e+00> : vector<1xf32>
      %reduce_sum3A_59 = vector.multi_reduction <add>, %reduce_sum3A_57, %reduce_sum3A_58 [1, 2] : vector<1x8x64xf32> to vector<1xf32>
      %reduce_sum3A_60 = vector.shape_cast %reduce_sum3A_59 : vector<1xf32> to vector<1x1x1xf32>
      %reduce_sum3A_61 = vector.extract %reduce_sum3A_60[0, 0, 0] : f32 from vector<1x1x1xf32>
      %mul3A_62 = arith.mulf %get3A_16, %convert_element_type3A_50 : vector<8x64xf32>
      %reduce_sum3A_63 = vector.shape_cast %mul3A_62 : vector<8x64xf32> to vector<1x8x64xf32>
      %reduce_sum3A_64 = arith.constant dense<0.000000e+00> : vector<1xf32>
      %reduce_sum3A_65 = vector.multi_reduction <add>, %reduce_sum3A_63, %reduce_sum3A_64 [1, 2] : vector<1x8x64xf32> to vector<1xf32>
      %reduce_sum3A_66 = vector.shape_cast %reduce_sum3A_65 : vector<1xf32> to vector<1x1x1xf32>
      %reduce_sum3A_67 = vector.extract %reduce_sum3A_66[0, 0, 0] : f32 from vector<1x1x1xf32>
      %sub3A = vector.broadcast %reduce_sum3A_55 : f32 to vector<8x64xf32>
      %sub3A_68 = arith.subf %get3A_4, %sub3A : vector<8x64xf32>
      %sub3A_69 = vector.broadcast %reduce_sum3A_61 : f32 to vector<8x64xf32>
      %sub3A_70 = arith.subf %get3A_10, %sub3A_69 : vector<8x64xf32>
      %sub3A_71 = vector.broadcast %reduce_sum3A_67 : f32 to vector<8x64xf32>
      %sub3A_72 = arith.subf %get3A_16, %sub3A_71 : vector<8x64xf32>
      %mul3A_73 = arith.mulf %sub3A_68, %sub3A_68 : vector<8x64xf32>
      %mul3A_74 = arith.mulf %sub3A_70, %sub3A_70 : vector<8x64xf32>
      %add3A_75 = arith.addf %mul3A_73, %mul3A_74 : vector<8x64xf32>
      %mul3A_76 = arith.mulf %sub3A_72, %sub3A_72 : vector<8x64xf32>
      %add3A_77 = arith.addf %add3A_75, %mul3A_76 : vector<8x64xf32>
      %min3A = arith.minimumf %scan3A_45, %add3A_77 : vector<8x64xf32>
      %reduce_max3A = vector.shape_cast %min3A : vector<8x64xf32> to vector<1x8x64xf32>
      %reduce_max3A_78 = arith.constant dense<0xFF800000> : vector<1xf32>
      %reduce_max3A_79 = vector.multi_reduction <maximumf>, %reduce_max3A, %reduce_max3A_78 [1, 2] : vector<1x8x64xf32> to vector<1xf32>
      %reduce_max3A_80 = vector.shape_cast %reduce_max3A_79 : vector<1xf32> to vector<1x1x1xf32>
      %reduce_max3A_81 = vector.extract %reduce_max3A_80[0, 0, 0] : f32 from vector<1x1x1xf32>
      %eq3A_82 = vector.broadcast %reduce_max3A_81 : f32 to vector<8x64xf32>
      %eq3A_83 = arith.cmpf oeq, %min3A, %eq3A_82 : vector<8x64xf32>
      %jit3A = arith.constant 512 : i32
      %broadcast_in_dim3A_84 = vector.broadcast %jit3A : i32 to vector<8x64xi32>
      %select_n3A = arith.select %eq3A_83, %add3A, %broadcast_in_dim3A_84 : vector<8x64xi1>, vector<8x64xi32>
      %reduce_min3A = vector.shape_cast %select_n3A : vector<8x64xi32> to vector<1x8x64xi32>
      %reduce_min3A_85 = arith.constant dense<2147483647> : vector<1xi32>
      %reduce_min3A_86 = vector.multi_reduction <minsi>, %reduce_min3A, %reduce_min3A_85 [1, 2] : vector<1x8x64xi32> to vector<1xi32>
      %reduce_min3A_87 = vector.shape_cast %reduce_min3A_86 : vector<1xi32> to vector<1x1x1xi32>
      %reduce_min3A_88 = vector.extract %reduce_min3A_87[0, 0, 0] : i32 from vector<1x1x1xi32>
      %broadcast_in_dim3A_89 = vector.broadcast %reduce_sum3A_55 : f32 to vector<1x1xf32>
      %broadcast_in_dim3A_90 = vector.broadcast %reduce_sum3A_61 : f32 to vector<1x1xf32>
      %broadcast_in_dim3A_91 = vector.broadcast %reduce_sum3A_67 : f32 to vector<1x1xf32>
      %concatenate3A = tpu.concatenate %broadcast_in_dim3A_89, %broadcast_in_dim3A_90, %broadcast_in_dim3A_91 in 0 : vector<1x1xf32>, vector<1x1xf32>, vector<1x1xf32> -> vector<3x1xf32>
      %eq3A_92 = vector.broadcast %scan3A_44 : i32 to vector<3x256xi32>
      %eq3A_93 = arith.cmpi eq, %iota3A_20, %eq3A_92 : vector<3x256xi32>
      %broadcast_in_dim3A_94 = vector.shape_cast %concatenate3A : vector<3x1xf32> to vector<3x1xf32>
      %broadcast_in_dim3A_95 = vector.broadcast %broadcast_in_dim3A_94 : vector<3x1xf32> to vector<3x256xf32>
      %select_n3A_96 = arith.select %eq3A_93, %broadcast_in_dim3A_95, %scan3A_47 : vector<3x256xi1>, vector<3x256xf32>
      %eq3A_97 = vector.broadcast %scan3A_44 : i32 to vector<1x256xi32>
      %eq3A_98 = arith.cmpi eq, %iota3A_21, %eq3A_97 : vector<1x256xi32>
      %broadcast_in_dim3A_99 = vector.broadcast %scan3A_46 : i32 to vector<1x256xi32>
      %select_n3A_100 = arith.select %eq3A_98, %broadcast_in_dim3A_99, %scan3A_48 : vector<1x256xi1>, vector<1x256xi32>
      scf.yield %min3A, %reduce_min3A_88, %select_n3A_96, %select_n3A_100 : vector<8x64xf32>, i32, vector<3x256xf32>, vector<1x256xi32>
    }
    %scan3A_32 = arith.constant 256 : i32
    %swap3A = arith.constant 0 : index
    %swap3A_33 = arith.constant 0 : index
    %swap3A_34 = arith.constant 0 : index
    %swap3A_35 = vector.load %arg2[%swap3A, %swap3A_33, %swap3A_34] : memref<1x3x256xf32, #tpu.memory_space<vmem>>, vector<1x3x256xf32>
    %swap3A_36 = vector.shape_cast %swap3A_35 : vector<1x3x256xf32> to vector<3x256xf32>
    %swap3A_37 = vector.shape_cast %scan3A_31#2 : vector<3x256xf32> to vector<1x3x256xf32>
    tpu.vector_store %arg2[%swap3A, %swap3A_33, %swap3A_34], %swap3A_37 {strides = array<i32>} : memref<1x3x256xf32, #tpu.memory_space<vmem>>, vector<1x3x256xf32>,
    %swap3A_38 = arith.constant 0 : index
    %swap3A_39 = arith.constant 0 : index
    %swap3A_40 = arith.constant 0 : index
    %swap3A_41 = vector.load %arg3[%swap3A_38, %swap3A_39, %swap3A_40] : memref<1x1x256xi32, #tpu.memory_space<vmem>>, vector<1x1x256xi32>
    %swap3A_42 = vector.shape_cast %swap3A_41 : vector<1x1x256xi32> to vector<1x256xi32>
    %swap3A_43 = vector.shape_cast %scan3A_31#3 : vector<1x256xi32> to vector<1x1x256xi32>
    tpu.vector_store %arg3[%swap3A_38, %swap3A_39, %swap3A_40], %swap3A_43 {strides = array<i32>} : memref<1x1x256xi32, #tpu.memory_space<vmem>>, vector<1x1x256xi32>,
    return
  }
  func.func @transform_0(%arg0: i32) -> (i32, i32, i32, i32) {
    %c0_i32 = arith.constant 0 : i32
    %c0_i32_0 = arith.constant 0 : i32
    %c0_i32_1 = arith.constant 0 : i32
    %c0_i32_2 = arith.constant 0 : i32
    return %arg0, %c0_i32, %c0_i32_0, %c0_i32_1 : i32, i32, i32, i32
  }
  func.func @transform_1(%arg0: i32) -> (i32, i32, i32) {
    %c0_i32 = arith.constant 0 : i32
    %c0_i32_0 = arith.constant 0 : i32
    %c0_i32_1 = arith.constant 0 : i32
    return %arg0, %c0_i32, %c0_i32_0 : i32, i32, i32
  }
  func.func @transform_2(%arg0: i32) -> (i32, i32, i32) {
    %c0_i32 = arith.constant 0 : i32
    %c0_i32_0 = arith.constant 0 : i32
    %c0_i32_1 = arith.constant 0 : i32
    return %arg0, %c0_i32, %c0_i32_0 : i32, i32, i32
  }
}

module attributes {stable_mosaic.version = 14 : i64} {
  func.func @_mlp_body(%arg0: i32, %arg1: i32, %arg2: memref<1x64x64x6xf32, #tpu.memory_space<vmem>>, %arg3: memref<1x1x16xf32, #tpu.memory_space<vmem>>, %arg4: memref<64x6xf32, #tpu.memory_space<vmem>>, %arg5: memref<1x64xf32, #tpu.memory_space<vmem>>, %arg6: memref<1x64xf32, #tpu.memory_space<vmem>>, %arg7: memref<1x64xf32, #tpu.memory_space<vmem>>, %arg8: memref<1x64xf32, #tpu.memory_space<vmem>>, %arg9: memref<1x64xf32, #tpu.memory_space<vmem>>, %arg10: memref<64x64xf32, #tpu.memory_space<vmem>>, %arg11: memref<1x64xf32, #tpu.memory_space<vmem>>, %arg12: memref<1x64xf32, #tpu.memory_space<vmem>>, %arg13: memref<1x64xf32, #tpu.memory_space<vmem>>, %arg14: memref<1x64xf32, #tpu.memory_space<vmem>>, %arg15: memref<1x64xf32, #tpu.memory_space<vmem>>, %arg16: memref<128x64xf32, #tpu.memory_space<vmem>>, %arg17: memref<1x128xf32, #tpu.memory_space<vmem>>, %arg18: memref<1x128xf32, #tpu.memory_space<vmem>>, %arg19: memref<1x128xf32, #tpu.memory_space<vmem>>, %arg20: memref<1x128xf32, #tpu.memory_space<vmem>>, %arg21: memref<1x128xf32, #tpu.memory_space<vmem>>, %arg22: memref<128x16xf32, #tpu.memory_space<vmem>>, %arg23: memref<1x128xf32, #tpu.memory_space<vmem>>, %arg24: memref<128x16xf32, #tpu.memory_space<vmem>>, %arg25: memref<1x128xf32, #tpu.memory_space<vmem>>, %arg26: memref<1x64x128xf32, #tpu.memory_space<vmem>>) attributes {dimension_semantics = [#tpu.dimension_semantics<arbitrary>, #tpu.dimension_semantics<arbitrary>], iteration_bounds = array<i64: 8, 8>, scalar_prefetch = 0 : i64, scratch_operands = 0 : i64, tpu.core_type = #tpu.core_type<tc>, window_params = [{transform_indices = @transform_0, window_bounds = array<i64: 1, 64, 64, 6>}, {transform_indices = @transform_1, window_bounds = array<i64: 1, 1, 16>}, {pipeline_mode = #tpu.pipeline_mode<synchronous>, transform_indices = @transform_2, window_bounds = array<i64: 64, 6>}, {pipeline_mode = #tpu.pipeline_mode<synchronous>, transform_indices = @transform_3, window_bounds = array<i64: 1, 64>}, {pipeline_mode = #tpu.pipeline_mode<synchronous>, transform_indices = @transform_4, window_bounds = array<i64: 1, 64>}, {pipeline_mode = #tpu.pipeline_mode<synchronous>, transform_indices = @transform_5, window_bounds = array<i64: 1, 64>}, {pipeline_mode = #tpu.pipeline_mode<synchronous>, transform_indices = @transform_6, window_bounds = array<i64: 1, 64>}, {pipeline_mode = #tpu.pipeline_mode<synchronous>, transform_indices = @transform_7, window_bounds = array<i64: 1, 64>}, {pipeline_mode = #tpu.pipeline_mode<synchronous>, transform_indices = @transform_8, window_bounds = array<i64: 64, 64>}, {pipeline_mode = #tpu.pipeline_mode<synchronous>, transform_indices = @transform_9, window_bounds = array<i64: 1, 64>}, {pipeline_mode = #tpu.pipeline_mode<synchronous>, transform_indices = @transform_10, window_bounds = array<i64: 1, 64>}, {pipeline_mode = #tpu.pipeline_mode<synchronous>, transform_indices = @transform_11, window_bounds = array<i64: 1, 64>}, {pipeline_mode = #tpu.pipeline_mode<synchronous>, transform_indices = @transform_12, window_bounds = array<i64: 1, 64>}, {pipeline_mode = #tpu.pipeline_mode<synchronous>, transform_indices = @transform_13, window_bounds = array<i64: 1, 64>}, {pipeline_mode = #tpu.pipeline_mode<synchronous>, transform_indices = @transform_14, window_bounds = array<i64: 128, 64>}, {pipeline_mode = #tpu.pipeline_mode<synchronous>, transform_indices = @transform_15, window_bounds = array<i64: 1, 128>}, {pipeline_mode = #tpu.pipeline_mode<synchronous>, transform_indices = @transform_16, window_bounds = array<i64: 1, 128>}, {pipeline_mode = #tpu.pipeline_mode<synchronous>, transform_indices = @transform_17, window_bounds = array<i64: 1, 128>}, {pipeline_mode = #tpu.pipeline_mode<synchronous>, transform_indices = @transform_18, window_bounds = array<i64: 1, 128>}, {pipeline_mode = #tpu.pipeline_mode<synchronous>, transform_indices = @transform_19, window_bounds = array<i64: 1, 128>}, {pipeline_mode = #tpu.pipeline_mode<synchronous>, transform_indices = @transform_20, window_bounds = array<i64: 128, 16>}, {pipeline_mode = #tpu.pipeline_mode<synchronous>, transform_indices = @transform_21, window_bounds = array<i64: 1, 128>}, {pipeline_mode = #tpu.pipeline_mode<synchronous>, transform_indices = @transform_22, window_bounds = array<i64: 128, 16>}, {pipeline_mode = #tpu.pipeline_mode<synchronous>, transform_indices = @transform_23, window_bounds = array<i64: 1, 128>}, {transform_indices = @transform_24, window_bounds = array<i64: 1, 64, 128>}]} {
    %get3A = arith.constant 0 : index
    %get3A_0 = arith.constant 0 : index
    %get3A_1 = arith.constant 0 : index
    %get3A_2 = arith.constant 0 : index
    %get3A_3 = vector.load %arg2[%get3A, %get3A_0, %get3A_1, %get3A_2] : memref<1x64x64x6xf32, #tpu.memory_space<vmem>>, vector<1x64x64x6xf32>
    %get3A_4 = vector.shape_cast %get3A_3 : vector<1x64x64x6xf32> to vector<64x64x6xf32>
    %reshape3A = vector.shape_cast %get3A_4 : vector<64x64x6xf32> to vector<4096x6xf32>
    %get3A_5 = arith.constant 0 : index
    %get3A_6 = arith.constant 0 : index
    %get3A_7 = vector.load %arg4[%get3A_5, %get3A_6] : memref<64x6xf32, #tpu.memory_space<vmem>>, vector<64x6xf32>
    %get3A_8 = arith.constant 0 : index
    %get3A_9 = arith.constant 0 : index
    %get3A_10 = vector.load %arg5[%get3A_8, %get3A_9] : memref<1x64xf32, #tpu.memory_space<vmem>>, vector<1x64xf32>
    %get3A_11 = arith.constant 0 : index
    %get3A_12 = arith.constant 0 : index
    %get3A_13 = vector.load %arg6[%get3A_11, %get3A_12] : memref<1x64xf32, #tpu.memory_space<vmem>>, vector<1x64xf32>
    %get3A_14 = arith.constant 0 : index
    %get3A_15 = arith.constant 0 : index
    %get3A_16 = vector.load %arg7[%get3A_14, %get3A_15] : memref<1x64xf32, #tpu.memory_space<vmem>>, vector<1x64xf32>
    %get3A_17 = arith.constant 0 : index
    %get3A_18 = arith.constant 0 : index
    %get3A_19 = vector.load %arg8[%get3A_17, %get3A_18] : memref<1x64xf32, #tpu.memory_space<vmem>>, vector<1x64xf32>
    %get3A_20 = arith.constant 0 : index
    %get3A_21 = arith.constant 0 : index
    %get3A_22 = vector.load %arg9[%get3A_20, %get3A_21] : memref<1x64xf32, #tpu.memory_space<vmem>>, vector<1x64xf32>
    %dot_general3A = arith.constant dense<0.000000e+00> : vector<4096x64xf32>
    %dot_general3A_23 = tpu.matmul %reshape3A, %get3A_7, %dot_general3A {dimension_numbers = #tpu.dot_dimension_numbers<[1], [1], [0], [0], [0, 0, 1, 0], [], []>, transpose_lhs_hint = false} : vector<4096x6xf32>, vector<64x6xf32>, vector<4096x64xf32> -> vector<4096x64xf32>
    %add3A = vector.broadcast %get3A_10 : vector<1x64xf32> to vector<4096x64xf32>
    %add3A_24 = arith.addf %dot_general3A_23, %add3A : vector<4096x64xf32>
    %sub3A = vector.broadcast %get3A_19 : vector<1x64xf32> to vector<4096x64xf32>
    %sub3A_25 = arith.subf %add3A_24, %sub3A : vector<4096x64xf32>
    %add3A_26 = arith.constant 9.99999974E-6 : f32
    %add3A_27 = vector.broadcast %add3A_26 : f32 to vector<1x64xf32>
    %add3A_28 = arith.addf %get3A_22, %add3A_27 : vector<1x64xf32>
    %sqrt3A = math.sqrt %add3A_28 : vector<1x64xf32>
    %div3A = vector.broadcast %sqrt3A : vector<1x64xf32> to vector<4096x64xf32>
    %div3A_29 = arith.divf %sub3A_25, %div3A : vector<4096x64xf32>
    %mul3A = vector.broadcast %get3A_13 : vector<1x64xf32> to vector<4096x64xf32>
    %mul3A_30 = arith.mulf %div3A_29, %mul3A : vector<4096x64xf32>
    %add3A_31 = vector.broadcast %get3A_16 : vector<1x64xf32> to vector<4096x64xf32>
    %add3A_32 = arith.addf %mul3A_30, %add3A_31 : vector<4096x64xf32>
    %max3A = arith.constant 0.000000e+00 : f32
    %max3A_33 = vector.broadcast %max3A : f32 to vector<4096x64xf32>
    %max3A_34 = arith.maximumf %add3A_32, %max3A_33 : vector<4096x64xf32>
    %get3A_35 = arith.constant 0 : index
    %get3A_36 = arith.constant 0 : index
    %get3A_37 = vector.load %arg10[%get3A_35, %get3A_36] : memref<64x64xf32, #tpu.memory_space<vmem>>, vector<64x64xf32>
    %get3A_38 = arith.constant 0 : index
    %get3A_39 = arith.constant 0 : index
    %get3A_40 = vector.load %arg11[%get3A_38, %get3A_39] : memref<1x64xf32, #tpu.memory_space<vmem>>, vector<1x64xf32>
    %get3A_41 = arith.constant 0 : index
    %get3A_42 = arith.constant 0 : index
    %get3A_43 = vector.load %arg12[%get3A_41, %get3A_42] : memref<1x64xf32, #tpu.memory_space<vmem>>, vector<1x64xf32>
    %get3A_44 = arith.constant 0 : index
    %get3A_45 = arith.constant 0 : index
    %get3A_46 = vector.load %arg13[%get3A_44, %get3A_45] : memref<1x64xf32, #tpu.memory_space<vmem>>, vector<1x64xf32>
    %get3A_47 = arith.constant 0 : index
    %get3A_48 = arith.constant 0 : index
    %get3A_49 = vector.load %arg14[%get3A_47, %get3A_48] : memref<1x64xf32, #tpu.memory_space<vmem>>, vector<1x64xf32>
    %get3A_50 = arith.constant 0 : index
    %get3A_51 = arith.constant 0 : index
    %get3A_52 = vector.load %arg15[%get3A_50, %get3A_51] : memref<1x64xf32, #tpu.memory_space<vmem>>, vector<1x64xf32>
    %dot_general3A_53 = arith.constant dense<0.000000e+00> : vector<4096x64xf32>
    %dot_general3A_54 = tpu.matmul %max3A_34, %get3A_37, %dot_general3A_53 {dimension_numbers = #tpu.dot_dimension_numbers<[1], [1], [0], [0], [0, 0, 1, 0], [], []>, transpose_lhs_hint = false} : vector<4096x64xf32>, vector<64x64xf32>, vector<4096x64xf32> -> vector<4096x64xf32>
    %add3A_55 = vector.broadcast %get3A_40 : vector<1x64xf32> to vector<4096x64xf32>
    %add3A_56 = arith.addf %dot_general3A_54, %add3A_55 : vector<4096x64xf32>
    %sub3A_57 = vector.broadcast %get3A_49 : vector<1x64xf32> to vector<4096x64xf32>
    %sub3A_58 = arith.subf %add3A_56, %sub3A_57 : vector<4096x64xf32>
    %add3A_59 = arith.constant 9.99999974E-6 : f32
    %add3A_60 = vector.broadcast %add3A_59 : f32 to vector<1x64xf32>
    %add3A_61 = arith.addf %get3A_52, %add3A_60 : vector<1x64xf32>
    %sqrt3A_62 = math.sqrt %add3A_61 : vector<1x64xf32>
    %div3A_63 = vector.broadcast %sqrt3A_62 : vector<1x64xf32> to vector<4096x64xf32>
    %div3A_64 = arith.divf %sub3A_58, %div3A_63 : vector<4096x64xf32>
    %mul3A_65 = vector.broadcast %get3A_43 : vector<1x64xf32> to vector<4096x64xf32>
    %mul3A_66 = arith.mulf %div3A_64, %mul3A_65 : vector<4096x64xf32>
    %add3A_67 = vector.broadcast %get3A_46 : vector<1x64xf32> to vector<4096x64xf32>
    %add3A_68 = arith.addf %mul3A_66, %add3A_67 : vector<4096x64xf32>
    %max3A_69 = arith.constant 0.000000e+00 : f32
    %max3A_70 = vector.broadcast %max3A_69 : f32 to vector<4096x64xf32>
    %max3A_71 = arith.maximumf %add3A_68, %max3A_70 : vector<4096x64xf32>
    %get3A_72 = arith.constant 0 : index
    %get3A_73 = arith.constant 0 : index
    %get3A_74 = vector.load %arg16[%get3A_72, %get3A_73] : memref<128x64xf32, #tpu.memory_space<vmem>>, vector<128x64xf32>
    %get3A_75 = arith.constant 0 : index
    %get3A_76 = arith.constant 0 : index
    %get3A_77 = vector.load %arg17[%get3A_75, %get3A_76] : memref<1x128xf32, #tpu.memory_space<vmem>>, vector<1x128xf32>
    %get3A_78 = arith.constant 0 : index
    %get3A_79 = arith.constant 0 : index
    %get3A_80 = vector.load %arg18[%get3A_78, %get3A_79] : memref<1x128xf32, #tpu.memory_space<vmem>>, vector<1x128xf32>
    %get3A_81 = arith.constant 0 : index
    %get3A_82 = arith.constant 0 : index
    %get3A_83 = vector.load %arg19[%get3A_81, %get3A_82] : memref<1x128xf32, #tpu.memory_space<vmem>>, vector<1x128xf32>
    %get3A_84 = arith.constant 0 : index
    %get3A_85 = arith.constant 0 : index
    %get3A_86 = vector.load %arg20[%get3A_84, %get3A_85] : memref<1x128xf32, #tpu.memory_space<vmem>>, vector<1x128xf32>
    %get3A_87 = arith.constant 0 : index
    %get3A_88 = arith.constant 0 : index
    %get3A_89 = vector.load %arg21[%get3A_87, %get3A_88] : memref<1x128xf32, #tpu.memory_space<vmem>>, vector<1x128xf32>
    %dot_general3A_90 = arith.constant dense<0.000000e+00> : vector<4096x128xf32>
    %dot_general3A_91 = tpu.matmul %max3A_71, %get3A_74, %dot_general3A_90 {dimension_numbers = #tpu.dot_dimension_numbers<[1], [1], [0], [0], [0, 0, 1, 0], [], []>, transpose_lhs_hint = false} : vector<4096x64xf32>, vector<128x64xf32>, vector<4096x128xf32> -> vector<4096x128xf32>
    %add3A_92 = vector.broadcast %get3A_77 : vector<1x128xf32> to vector<4096x128xf32>
    %add3A_93 = arith.addf %dot_general3A_91, %add3A_92 : vector<4096x128xf32>
    %sub3A_94 = vector.broadcast %get3A_86 : vector<1x128xf32> to vector<4096x128xf32>
    %sub3A_95 = arith.subf %add3A_93, %sub3A_94 : vector<4096x128xf32>
    %add3A_96 = arith.constant 9.99999974E-6 : f32
    %add3A_97 = vector.broadcast %add3A_96 : f32 to vector<1x128xf32>
    %add3A_98 = arith.addf %get3A_89, %add3A_97 : vector<1x128xf32>
    %sqrt3A_99 = math.sqrt %add3A_98 : vector<1x128xf32>
    %div3A_100 = vector.broadcast %sqrt3A_99 : vector<1x128xf32> to vector<4096x128xf32>
    %div3A_101 = arith.divf %sub3A_95, %div3A_100 : vector<4096x128xf32>
    %mul3A_102 = vector.broadcast %get3A_80 : vector<1x128xf32> to vector<4096x128xf32>
    %mul3A_103 = arith.mulf %div3A_101, %mul3A_102 : vector<4096x128xf32>
    %add3A_104 = vector.broadcast %get3A_83 : vector<1x128xf32> to vector<4096x128xf32>
    %add3A_105 = arith.addf %mul3A_103, %add3A_104 : vector<4096x128xf32>
    %max3A_106 = arith.constant 0.000000e+00 : f32
    %max3A_107 = vector.broadcast %max3A_106 : f32 to vector<4096x128xf32>
    %max3A_108 = arith.maximumf %add3A_105, %max3A_107 : vector<4096x128xf32>
    %reshape3A_109 = vector.shape_cast %max3A_108 : vector<4096x128xf32> to vector<64x64x128xf32>
    %reduce_max3A = arith.constant dense<0xFF800000> : vector<64x128xf32>
    %reduce_max3A_110 = vector.multi_reduction <maximumf>, %reshape3A_109, %reduce_max3A [1] : vector<64x64x128xf32> to vector<64x128xf32>
    %get3A_111 = arith.constant 0 : index
    %get3A_112 = arith.constant 0 : index
    %get3A_113 = arith.constant 0 : index
    %get3A_114 = vector.load %arg3[%get3A_111, %get3A_112, %get3A_113] : memref<1x1x16xf32, #tpu.memory_space<vmem>>, vector<1x1x16xf32>
    %get3A_115 = vector.shape_cast %get3A_114 : vector<1x1x16xf32> to vector<1x16xf32>
    %get3A_116 = arith.constant 0 : index
    %get3A_117 = arith.constant 0 : index
    %get3A_118 = vector.load %arg22[%get3A_116, %get3A_117] : memref<128x16xf32, #tpu.memory_space<vmem>>, vector<128x16xf32>
    %dot_general3A_119 = arith.constant dense<0.000000e+00> : vector<1x128xf32>
    %dot_general3A_120 = tpu.matmul %get3A_115, %get3A_118, %dot_general3A_119 {dimension_numbers = #tpu.dot_dimension_numbers<[1], [1], [0], [0], [0, 0, 1, 0], [], []>, transpose_lhs_hint = false} : vector<1x16xf32>, vector<128x16xf32>, vector<1x128xf32> -> vector<1x128xf32>
    %get3A_121 = arith.constant 0 : index
    %get3A_122 = arith.constant 0 : index
    %get3A_123 = vector.load %arg23[%get3A_121, %get3A_122] : memref<1x128xf32, #tpu.memory_space<vmem>>, vector<1x128xf32>
    %add3A_124 = arith.addf %dot_general3A_120, %get3A_123 : vector<1x128xf32>
    %get3A_125 = arith.constant 0 : index
    %get3A_126 = arith.constant 0 : index
    %get3A_127 = vector.load %arg24[%get3A_125, %get3A_126] : memref<128x16xf32, #tpu.memory_space<vmem>>, vector<128x16xf32>
    %dot_general3A_128 = arith.constant dense<0.000000e+00> : vector<1x128xf32>
    %dot_general3A_129 = tpu.matmul %get3A_115, %get3A_127, %dot_general3A_128 {dimension_numbers = #tpu.dot_dimension_numbers<[1], [1], [0], [0], [0, 0, 1, 0], [], []>, transpose_lhs_hint = false} : vector<1x16xf32>, vector<128x16xf32>, vector<1x128xf32> -> vector<1x128xf32>
    %get3A_130 = arith.constant 0 : index
    %get3A_131 = arith.constant 0 : index
    %get3A_132 = vector.load %arg25[%get3A_130, %get3A_131] : memref<1x128xf32, #tpu.memory_space<vmem>>, vector<1x128xf32>
    %add3A_133 = arith.addf %dot_general3A_129, %get3A_132 : vector<1x128xf32>
    %mul3A_134 = vector.broadcast %add3A_124 : vector<1x128xf32> to vector<64x128xf32>
    %mul3A_135 = arith.mulf %reduce_max3A_110, %mul3A_134 : vector<64x128xf32>
    %add3A_136 = vector.broadcast %add3A_133 : vector<1x128xf32> to vector<64x128xf32>
    %add3A_137 = arith.addf %mul3A_135, %add3A_136 : vector<64x128xf32>
    %swap3A = arith.constant 0 : index
    %swap3A_138 = arith.constant 0 : index
    %swap3A_139 = arith.constant 0 : index
    %swap3A_140 = vector.load %arg26[%swap3A, %swap3A_138, %swap3A_139] : memref<1x64x128xf32, #tpu.memory_space<vmem>>, vector<1x64x128xf32>
    %swap3A_141 = vector.shape_cast %swap3A_140 : vector<1x64x128xf32> to vector<64x128xf32>
    %swap3A_142 = vector.shape_cast %add3A_137 : vector<64x128xf32> to vector<1x64x128xf32>
    tpu.vector_store %arg26[%swap3A, %swap3A_138, %swap3A_139], %swap3A_142 {strides = array<i32>} : memref<1x64x128xf32, #tpu.memory_space<vmem>>, vector<1x64x128xf32>,
    return
  }
  func.func @transform_0(%arg0: i32, %arg1: i32) -> (i32, i32, i32, i32) {
    %c0_i32 = arith.constant 0 : i32
    %c0_i32_0 = arith.constant 0 : i32
    %c0_i32_1 = arith.constant 0 : i32
    return %arg0, %arg1, %c0_i32, %c0_i32_0 : i32, i32, i32, i32
  }
  func.func @transform_1(%arg0: i32, %arg1: i32) -> (i32, i32, i32) {
    %c0_i32 = arith.constant 0 : i32
    %c0_i32_0 = arith.constant 0 : i32
    %c0_i32_1 = arith.constant 0 : i32
    return %arg0, %c0_i32, %c0_i32_0 : i32, i32, i32
  }
  func.func @transform_2(%arg0: i32, %arg1: i32) -> (i32, i32) {
    %c0_i32 = arith.constant 0 : i32
    %c0_i32_0 = arith.constant 0 : i32
    %c0_i32_1 = arith.constant 0 : i32
    return %c0_i32, %c0_i32_0 : i32, i32
  }
  func.func @transform_3(%arg0: i32, %arg1: i32) -> (i32, i32) {
    %c0_i32 = arith.constant 0 : i32
    %c0_i32_0 = arith.constant 0 : i32
    %c0_i32_1 = arith.constant 0 : i32
    return %c0_i32, %c0_i32_0 : i32, i32
  }
  func.func @transform_4(%arg0: i32, %arg1: i32) -> (i32, i32) {
    %c0_i32 = arith.constant 0 : i32
    %c0_i32_0 = arith.constant 0 : i32
    %c0_i32_1 = arith.constant 0 : i32
    return %c0_i32, %c0_i32_0 : i32, i32
  }
  func.func @transform_5(%arg0: i32, %arg1: i32) -> (i32, i32) {
    %c0_i32 = arith.constant 0 : i32
    %c0_i32_0 = arith.constant 0 : i32
    %c0_i32_1 = arith.constant 0 : i32
    return %c0_i32, %c0_i32_0 : i32, i32
  }
  func.func @transform_6(%arg0: i32, %arg1: i32) -> (i32, i32) {
    %c0_i32 = arith.constant 0 : i32
    %c0_i32_0 = arith.constant 0 : i32
    %c0_i32_1 = arith.constant 0 : i32
    return %c0_i32, %c0_i32_0 : i32, i32
  }
  func.func @transform_7(%arg0: i32, %arg1: i32) -> (i32, i32) {
    %c0_i32 = arith.constant 0 : i32
    %c0_i32_0 = arith.constant 0 : i32
    %c0_i32_1 = arith.constant 0 : i32
    return %c0_i32, %c0_i32_0 : i32, i32
  }
  func.func @transform_8(%arg0: i32, %arg1: i32) -> (i32, i32) {
    %c0_i32 = arith.constant 0 : i32
    %c0_i32_0 = arith.constant 0 : i32
    %c0_i32_1 = arith.constant 0 : i32
    return %c0_i32, %c0_i32_0 : i32, i32
  }
  func.func @transform_9(%arg0: i32, %arg1: i32) -> (i32, i32) {
    %c0_i32 = arith.constant 0 : i32
    %c0_i32_0 = arith.constant 0 : i32
    %c0_i32_1 = arith.constant 0 : i32
    return %c0_i32, %c0_i32_0 : i32, i32
  }
  func.func @transform_10(%arg0: i32, %arg1: i32) -> (i32, i32) {
    %c0_i32 = arith.constant 0 : i32
    %c0_i32_0 = arith.constant 0 : i32
    %c0_i32_1 = arith.constant 0 : i32
    return %c0_i32, %c0_i32_0 : i32, i32
  }
  func.func @transform_11(%arg0: i32, %arg1: i32) -> (i32, i32) {
    %c0_i32 = arith.constant 0 : i32
    %c0_i32_0 = arith.constant 0 : i32
    %c0_i32_1 = arith.constant 0 : i32
    return %c0_i32, %c0_i32_0 : i32, i32
  }
  func.func @transform_12(%arg0: i32, %arg1: i32) -> (i32, i32) {
    %c0_i32 = arith.constant 0 : i32
    %c0_i32_0 = arith.constant 0 : i32
    %c0_i32_1 = arith.constant 0 : i32
    return %c0_i32, %c0_i32_0 : i32, i32
  }
  func.func @transform_13(%arg0: i32, %arg1: i32) -> (i32, i32) {
    %c0_i32 = arith.constant 0 : i32
    %c0_i32_0 = arith.constant 0 : i32
    %c0_i32_1 = arith.constant 0 : i32
    return %c0_i32, %c0_i32_0 : i32, i32
  }
  func.func @transform_14(%arg0: i32, %arg1: i32) -> (i32, i32) {
    %c0_i32 = arith.constant 0 : i32
    %c0_i32_0 = arith.constant 0 : i32
    %c0_i32_1 = arith.constant 0 : i32
    return %c0_i32, %c0_i32_0 : i32, i32
  }
  func.func @transform_15(%arg0: i32, %arg1: i32) -> (i32, i32) {
    %c0_i32 = arith.constant 0 : i32
    %c0_i32_0 = arith.constant 0 : i32
    %c0_i32_1 = arith.constant 0 : i32
    return %c0_i32, %c0_i32_0 : i32, i32
  }
  func.func @transform_16(%arg0: i32, %arg1: i32) -> (i32, i32) {
    %c0_i32 = arith.constant 0 : i32
    %c0_i32_0 = arith.constant 0 : i32
    %c0_i32_1 = arith.constant 0 : i32
    return %c0_i32, %c0_i32_0 : i32, i32
  }
  func.func @transform_17(%arg0: i32, %arg1: i32) -> (i32, i32) {
    %c0_i32 = arith.constant 0 : i32
    %c0_i32_0 = arith.constant 0 : i32
    %c0_i32_1 = arith.constant 0 : i32
    return %c0_i32, %c0_i32_0 : i32, i32
  }
  func.func @transform_18(%arg0: i32, %arg1: i32) -> (i32, i32) {
    %c0_i32 = arith.constant 0 : i32
    %c0_i32_0 = arith.constant 0 : i32
    %c0_i32_1 = arith.constant 0 : i32
    return %c0_i32, %c0_i32_0 : i32, i32
  }
  func.func @transform_19(%arg0: i32, %arg1: i32) -> (i32, i32) {
    %c0_i32 = arith.constant 0 : i32
    %c0_i32_0 = arith.constant 0 : i32
    %c0_i32_1 = arith.constant 0 : i32
    return %c0_i32, %c0_i32_0 : i32, i32
  }
  func.func @transform_20(%arg0: i32, %arg1: i32) -> (i32, i32) {
    %c0_i32 = arith.constant 0 : i32
    %c0_i32_0 = arith.constant 0 : i32
    %c0_i32_1 = arith.constant 0 : i32
    return %c0_i32, %c0_i32_0 : i32, i32
  }
  func.func @transform_21(%arg0: i32, %arg1: i32) -> (i32, i32) {
    %c0_i32 = arith.constant 0 : i32
    %c0_i32_0 = arith.constant 0 : i32
    %c0_i32_1 = arith.constant 0 : i32
    return %c0_i32, %c0_i32_0 : i32, i32
  }
  func.func @transform_22(%arg0: i32, %arg1: i32) -> (i32, i32) {
    %c0_i32 = arith.constant 0 : i32
    %c0_i32_0 = arith.constant 0 : i32
    %c0_i32_1 = arith.constant 0 : i32
    return %c0_i32, %c0_i32_0 : i32, i32
  }
  func.func @transform_23(%arg0: i32, %arg1: i32) -> (i32, i32) {
    %c0_i32 = arith.constant 0 : i32
    %c0_i32_0 = arith.constant 0 : i32
    %c0_i32_1 = arith.constant 0 : i32
    return %c0_i32, %c0_i32_0 : i32, i32
  }
  func.func @transform_24(%arg0: i32, %arg1: i32) -> (i32, i32, i32) {
    %c0_i32 = arith.constant 0 : i32
    %c0_i32_0 = arith.constant 0 : i32
    return %arg0, %arg1, %c0_i32 : i32, i32, i32
  }
}

module attributes {stable_mosaic.version = 14 : i64} {
  func.func @_mlp_body(%arg0: i32, %arg1: i32, %arg2: memref<1x64x64x131xf32, #tpu.memory_space<vmem>>, %arg3: memref<1x1x16xf32, #tpu.memory_space<vmem>>, %arg4: memref<128x131xf32, #tpu.memory_space<vmem>>, %arg5: memref<1x128xf32, #tpu.memory_space<vmem>>, %arg6: memref<1x128xf32, #tpu.memory_space<vmem>>, %arg7: memref<1x128xf32, #tpu.memory_space<vmem>>, %arg8: memref<1x128xf32, #tpu.memory_space<vmem>>, %arg9: memref<1x128xf32, #tpu.memory_space<vmem>>, %arg10: memref<128x128xf32, #tpu.memory_space<vmem>>, %arg11: memref<1x128xf32, #tpu.memory_space<vmem>>, %arg12: memref<1x128xf32, #tpu.memory_space<vmem>>, %arg13: memref<1x128xf32, #tpu.memory_space<vmem>>, %arg14: memref<1x128xf32, #tpu.memory_space<vmem>>, %arg15: memref<1x128xf32, #tpu.memory_space<vmem>>, %arg16: memref<256x128xf32, #tpu.memory_space<vmem>>, %arg17: memref<1x256xf32, #tpu.memory_space<vmem>>, %arg18: memref<1x256xf32, #tpu.memory_space<vmem>>, %arg19: memref<1x256xf32, #tpu.memory_space<vmem>>, %arg20: memref<1x256xf32, #tpu.memory_space<vmem>>, %arg21: memref<1x256xf32, #tpu.memory_space<vmem>>, %arg22: memref<256x16xf32, #tpu.memory_space<vmem>>, %arg23: memref<1x256xf32, #tpu.memory_space<vmem>>, %arg24: memref<256x16xf32, #tpu.memory_space<vmem>>, %arg25: memref<1x256xf32, #tpu.memory_space<vmem>>, %arg26: memref<1x64x256xf32, #tpu.memory_space<vmem>>) attributes {dimension_semantics = [#tpu.dimension_semantics<arbitrary>, #tpu.dimension_semantics<arbitrary>], iteration_bounds = array<i64: 8, 4>, scalar_prefetch = 0 : i64, scratch_operands = 0 : i64, tpu.core_type = #tpu.core_type<tc>, window_params = [{transform_indices = @transform_0, window_bounds = array<i64: 1, 64, 64, 131>}, {transform_indices = @transform_1, window_bounds = array<i64: 1, 1, 16>}, {pipeline_mode = #tpu.pipeline_mode<synchronous>, transform_indices = @transform_2, window_bounds = array<i64: 128, 131>}, {pipeline_mode = #tpu.pipeline_mode<synchronous>, transform_indices = @transform_3, window_bounds = array<i64: 1, 128>}, {pipeline_mode = #tpu.pipeline_mode<synchronous>, transform_indices = @transform_4, window_bounds = array<i64: 1, 128>}, {pipeline_mode = #tpu.pipeline_mode<synchronous>, transform_indices = @transform_5, window_bounds = array<i64: 1, 128>}, {pipeline_mode = #tpu.pipeline_mode<synchronous>, transform_indices = @transform_6, window_bounds = array<i64: 1, 128>}, {pipeline_mode = #tpu.pipeline_mode<synchronous>, transform_indices = @transform_7, window_bounds = array<i64: 1, 128>}, {pipeline_mode = #tpu.pipeline_mode<synchronous>, transform_indices = @transform_8, window_bounds = array<i64: 128, 128>}, {pipeline_mode = #tpu.pipeline_mode<synchronous>, transform_indices = @transform_9, window_bounds = array<i64: 1, 128>}, {pipeline_mode = #tpu.pipeline_mode<synchronous>, transform_indices = @transform_10, window_bounds = array<i64: 1, 128>}, {pipeline_mode = #tpu.pipeline_mode<synchronous>, transform_indices = @transform_11, window_bounds = array<i64: 1, 128>}, {pipeline_mode = #tpu.pipeline_mode<synchronous>, transform_indices = @transform_12, window_bounds = array<i64: 1, 128>}, {pipeline_mode = #tpu.pipeline_mode<synchronous>, transform_indices = @transform_13, window_bounds = array<i64: 1, 128>}, {pipeline_mode = #tpu.pipeline_mode<synchronous>, transform_indices = @transform_14, window_bounds = array<i64: 256, 128>}, {pipeline_mode = #tpu.pipeline_mode<synchronous>, transform_indices = @transform_15, window_bounds = array<i64: 1, 256>}, {pipeline_mode = #tpu.pipeline_mode<synchronous>, transform_indices = @transform_16, window_bounds = array<i64: 1, 256>}, {pipeline_mode = #tpu.pipeline_mode<synchronous>, transform_indices = @transform_17, window_bounds = array<i64: 1, 256>}, {pipeline_mode = #tpu.pipeline_mode<synchronous>, transform_indices = @transform_18, window_bounds = array<i64: 1, 256>}, {pipeline_mode = #tpu.pipeline_mode<synchronous>, transform_indices = @transform_19, window_bounds = array<i64: 1, 256>}, {pipeline_mode = #tpu.pipeline_mode<synchronous>, transform_indices = @transform_20, window_bounds = array<i64: 256, 16>}, {pipeline_mode = #tpu.pipeline_mode<synchronous>, transform_indices = @transform_21, window_bounds = array<i64: 1, 256>}, {pipeline_mode = #tpu.pipeline_mode<synchronous>, transform_indices = @transform_22, window_bounds = array<i64: 256, 16>}, {pipeline_mode = #tpu.pipeline_mode<synchronous>, transform_indices = @transform_23, window_bounds = array<i64: 1, 256>}, {transform_indices = @transform_24, window_bounds = array<i64: 1, 64, 256>}]} {
    %get3A = arith.constant 0 : index
    %get3A_0 = arith.constant 0 : index
    %get3A_1 = arith.constant 0 : index
    %get3A_2 = arith.constant 0 : index
    %get3A_3 = vector.load %arg2[%get3A, %get3A_0, %get3A_1, %get3A_2] : memref<1x64x64x131xf32, #tpu.memory_space<vmem>>, vector<1x64x64x131xf32>
    %get3A_4 = vector.shape_cast %get3A_3 : vector<1x64x64x131xf32> to vector<64x64x131xf32>
    %reshape3A = vector.shape_cast %get3A_4 : vector<64x64x131xf32> to vector<4096x131xf32>
    %get3A_5 = arith.constant 0 : index
    %get3A_6 = arith.constant 0 : index
    %get3A_7 = vector.load %arg4[%get3A_5, %get3A_6] : memref<128x131xf32, #tpu.memory_space<vmem>>, vector<128x131xf32>
    %get3A_8 = arith.constant 0 : index
    %get3A_9 = arith.constant 0 : index
    %get3A_10 = vector.load %arg5[%get3A_8, %get3A_9] : memref<1x128xf32, #tpu.memory_space<vmem>>, vector<1x128xf32>
    %get3A_11 = arith.constant 0 : index
    %get3A_12 = arith.constant 0 : index
    %get3A_13 = vector.load %arg6[%get3A_11, %get3A_12] : memref<1x128xf32, #tpu.memory_space<vmem>>, vector<1x128xf32>
    %get3A_14 = arith.constant 0 : index
    %get3A_15 = arith.constant 0 : index
    %get3A_16 = vector.load %arg7[%get3A_14, %get3A_15] : memref<1x128xf32, #tpu.memory_space<vmem>>, vector<1x128xf32>
    %get3A_17 = arith.constant 0 : index
    %get3A_18 = arith.constant 0 : index
    %get3A_19 = vector.load %arg8[%get3A_17, %get3A_18] : memref<1x128xf32, #tpu.memory_space<vmem>>, vector<1x128xf32>
    %get3A_20 = arith.constant 0 : index
    %get3A_21 = arith.constant 0 : index
    %get3A_22 = vector.load %arg9[%get3A_20, %get3A_21] : memref<1x128xf32, #tpu.memory_space<vmem>>, vector<1x128xf32>
    %dot_general3A = arith.constant dense<0.000000e+00> : vector<4096x128xf32>
    %dot_general3A_23 = tpu.matmul %reshape3A, %get3A_7, %dot_general3A {dimension_numbers = #tpu.dot_dimension_numbers<[1], [1], [0], [0], [0, 0, 1, 0], [], []>, transpose_lhs_hint = false} : vector<4096x131xf32>, vector<128x131xf32>, vector<4096x128xf32> -> vector<4096x128xf32>
    %add3A = vector.broadcast %get3A_10 : vector<1x128xf32> to vector<4096x128xf32>
    %add3A_24 = arith.addf %dot_general3A_23, %add3A : vector<4096x128xf32>
    %sub3A = vector.broadcast %get3A_19 : vector<1x128xf32> to vector<4096x128xf32>
    %sub3A_25 = arith.subf %add3A_24, %sub3A : vector<4096x128xf32>
    %add3A_26 = arith.constant 9.99999974E-6 : f32
    %add3A_27 = vector.broadcast %add3A_26 : f32 to vector<1x128xf32>
    %add3A_28 = arith.addf %get3A_22, %add3A_27 : vector<1x128xf32>
    %sqrt3A = math.sqrt %add3A_28 : vector<1x128xf32>
    %div3A = vector.broadcast %sqrt3A : vector<1x128xf32> to vector<4096x128xf32>
    %div3A_29 = arith.divf %sub3A_25, %div3A : vector<4096x128xf32>
    %mul3A = vector.broadcast %get3A_13 : vector<1x128xf32> to vector<4096x128xf32>
    %mul3A_30 = arith.mulf %div3A_29, %mul3A : vector<4096x128xf32>
    %add3A_31 = vector.broadcast %get3A_16 : vector<1x128xf32> to vector<4096x128xf32>
    %add3A_32 = arith.addf %mul3A_30, %add3A_31 : vector<4096x128xf32>
    %max3A = arith.constant 0.000000e+00 : f32
    %max3A_33 = vector.broadcast %max3A : f32 to vector<4096x128xf32>
    %max3A_34 = arith.maximumf %add3A_32, %max3A_33 : vector<4096x128xf32>
    %get3A_35 = arith.constant 0 : index
    %get3A_36 = arith.constant 0 : index
    %get3A_37 = vector.load %arg10[%get3A_35, %get3A_36] : memref<128x128xf32, #tpu.memory_space<vmem>>, vector<128x128xf32>
    %get3A_38 = arith.constant 0 : index
    %get3A_39 = arith.constant 0 : index
    %get3A_40 = vector.load %arg11[%get3A_38, %get3A_39] : memref<1x128xf32, #tpu.memory_space<vmem>>, vector<1x128xf32>
    %get3A_41 = arith.constant 0 : index
    %get3A_42 = arith.constant 0 : index
    %get3A_43 = vector.load %arg12[%get3A_41, %get3A_42] : memref<1x128xf32, #tpu.memory_space<vmem>>, vector<1x128xf32>
    %get3A_44 = arith.constant 0 : index
    %get3A_45 = arith.constant 0 : index
    %get3A_46 = vector.load %arg13[%get3A_44, %get3A_45] : memref<1x128xf32, #tpu.memory_space<vmem>>, vector<1x128xf32>
    %get3A_47 = arith.constant 0 : index
    %get3A_48 = arith.constant 0 : index
    %get3A_49 = vector.load %arg14[%get3A_47, %get3A_48] : memref<1x128xf32, #tpu.memory_space<vmem>>, vector<1x128xf32>
    %get3A_50 = arith.constant 0 : index
    %get3A_51 = arith.constant 0 : index
    %get3A_52 = vector.load %arg15[%get3A_50, %get3A_51] : memref<1x128xf32, #tpu.memory_space<vmem>>, vector<1x128xf32>
    %dot_general3A_53 = arith.constant dense<0.000000e+00> : vector<4096x128xf32>
    %dot_general3A_54 = tpu.matmul %max3A_34, %get3A_37, %dot_general3A_53 {dimension_numbers = #tpu.dot_dimension_numbers<[1], [1], [0], [0], [0, 0, 1, 0], [], []>, transpose_lhs_hint = false} : vector<4096x128xf32>, vector<128x128xf32>, vector<4096x128xf32> -> vector<4096x128xf32>
    %add3A_55 = vector.broadcast %get3A_40 : vector<1x128xf32> to vector<4096x128xf32>
    %add3A_56 = arith.addf %dot_general3A_54, %add3A_55 : vector<4096x128xf32>
    %sub3A_57 = vector.broadcast %get3A_49 : vector<1x128xf32> to vector<4096x128xf32>
    %sub3A_58 = arith.subf %add3A_56, %sub3A_57 : vector<4096x128xf32>
    %add3A_59 = arith.constant 9.99999974E-6 : f32
    %add3A_60 = vector.broadcast %add3A_59 : f32 to vector<1x128xf32>
    %add3A_61 = arith.addf %get3A_52, %add3A_60 : vector<1x128xf32>
    %sqrt3A_62 = math.sqrt %add3A_61 : vector<1x128xf32>
    %div3A_63 = vector.broadcast %sqrt3A_62 : vector<1x128xf32> to vector<4096x128xf32>
    %div3A_64 = arith.divf %sub3A_58, %div3A_63 : vector<4096x128xf32>
    %mul3A_65 = vector.broadcast %get3A_43 : vector<1x128xf32> to vector<4096x128xf32>
    %mul3A_66 = arith.mulf %div3A_64, %mul3A_65 : vector<4096x128xf32>
    %add3A_67 = vector.broadcast %get3A_46 : vector<1x128xf32> to vector<4096x128xf32>
    %add3A_68 = arith.addf %mul3A_66, %add3A_67 : vector<4096x128xf32>
    %max3A_69 = arith.constant 0.000000e+00 : f32
    %max3A_70 = vector.broadcast %max3A_69 : f32 to vector<4096x128xf32>
    %max3A_71 = arith.maximumf %add3A_68, %max3A_70 : vector<4096x128xf32>
    %get3A_72 = arith.constant 0 : index
    %get3A_73 = arith.constant 0 : index
    %get3A_74 = vector.load %arg16[%get3A_72, %get3A_73] : memref<256x128xf32, #tpu.memory_space<vmem>>, vector<256x128xf32>
    %get3A_75 = arith.constant 0 : index
    %get3A_76 = arith.constant 0 : index
    %get3A_77 = vector.load %arg17[%get3A_75, %get3A_76] : memref<1x256xf32, #tpu.memory_space<vmem>>, vector<1x256xf32>
    %get3A_78 = arith.constant 0 : index
    %get3A_79 = arith.constant 0 : index
    %get3A_80 = vector.load %arg18[%get3A_78, %get3A_79] : memref<1x256xf32, #tpu.memory_space<vmem>>, vector<1x256xf32>
    %get3A_81 = arith.constant 0 : index
    %get3A_82 = arith.constant 0 : index
    %get3A_83 = vector.load %arg19[%get3A_81, %get3A_82] : memref<1x256xf32, #tpu.memory_space<vmem>>, vector<1x256xf32>
    %get3A_84 = arith.constant 0 : index
    %get3A_85 = arith.constant 0 : index
    %get3A_86 = vector.load %arg20[%get3A_84, %get3A_85] : memref<1x256xf32, #tpu.memory_space<vmem>>, vector<1x256xf32>
    %get3A_87 = arith.constant 0 : index
    %get3A_88 = arith.constant 0 : index
    %get3A_89 = vector.load %arg21[%get3A_87, %get3A_88] : memref<1x256xf32, #tpu.memory_space<vmem>>, vector<1x256xf32>
    %dot_general3A_90 = arith.constant dense<0.000000e+00> : vector<4096x256xf32>
    %dot_general3A_91 = tpu.matmul %max3A_71, %get3A_74, %dot_general3A_90 {dimension_numbers = #tpu.dot_dimension_numbers<[1], [1], [0], [0], [0, 0, 1, 0], [], []>, transpose_lhs_hint = false} : vector<4096x128xf32>, vector<256x128xf32>, vector<4096x256xf32> -> vector<4096x256xf32>
    %add3A_92 = vector.broadcast %get3A_77 : vector<1x256xf32> to vector<4096x256xf32>
    %add3A_93 = arith.addf %dot_general3A_91, %add3A_92 : vector<4096x256xf32>
    %sub3A_94 = vector.broadcast %get3A_86 : vector<1x256xf32> to vector<4096x256xf32>
    %sub3A_95 = arith.subf %add3A_93, %sub3A_94 : vector<4096x256xf32>
    %add3A_96 = arith.constant 9.99999974E-6 : f32
    %add3A_97 = vector.broadcast %add3A_96 : f32 to vector<1x256xf32>
    %add3A_98 = arith.addf %get3A_89, %add3A_97 : vector<1x256xf32>
    %sqrt3A_99 = math.sqrt %add3A_98 : vector<1x256xf32>
    %div3A_100 = vector.broadcast %sqrt3A_99 : vector<1x256xf32> to vector<4096x256xf32>
    %div3A_101 = arith.divf %sub3A_95, %div3A_100 : vector<4096x256xf32>
    %mul3A_102 = vector.broadcast %get3A_80 : vector<1x256xf32> to vector<4096x256xf32>
    %mul3A_103 = arith.mulf %div3A_101, %mul3A_102 : vector<4096x256xf32>
    %add3A_104 = vector.broadcast %get3A_83 : vector<1x256xf32> to vector<4096x256xf32>
    %add3A_105 = arith.addf %mul3A_103, %add3A_104 : vector<4096x256xf32>
    %max3A_106 = arith.constant 0.000000e+00 : f32
    %max3A_107 = vector.broadcast %max3A_106 : f32 to vector<4096x256xf32>
    %max3A_108 = arith.maximumf %add3A_105, %max3A_107 : vector<4096x256xf32>
    %reshape3A_109 = vector.shape_cast %max3A_108 : vector<4096x256xf32> to vector<64x64x256xf32>
    %reduce_max3A = arith.constant dense<0xFF800000> : vector<64x256xf32>
    %reduce_max3A_110 = vector.multi_reduction <maximumf>, %reshape3A_109, %reduce_max3A [1] : vector<64x64x256xf32> to vector<64x256xf32>
    %get3A_111 = arith.constant 0 : index
    %get3A_112 = arith.constant 0 : index
    %get3A_113 = arith.constant 0 : index
    %get3A_114 = vector.load %arg3[%get3A_111, %get3A_112, %get3A_113] : memref<1x1x16xf32, #tpu.memory_space<vmem>>, vector<1x1x16xf32>
    %get3A_115 = vector.shape_cast %get3A_114 : vector<1x1x16xf32> to vector<1x16xf32>
    %get3A_116 = arith.constant 0 : index
    %get3A_117 = arith.constant 0 : index
    %get3A_118 = vector.load %arg22[%get3A_116, %get3A_117] : memref<256x16xf32, #tpu.memory_space<vmem>>, vector<256x16xf32>
    %dot_general3A_119 = arith.constant dense<0.000000e+00> : vector<1x256xf32>
    %dot_general3A_120 = tpu.matmul %get3A_115, %get3A_118, %dot_general3A_119 {dimension_numbers = #tpu.dot_dimension_numbers<[1], [1], [0], [0], [0, 0, 1, 0], [], []>, transpose_lhs_hint = false} : vector<1x16xf32>, vector<256x16xf32>, vector<1x256xf32> -> vector<1x256xf32>
    %get3A_121 = arith.constant 0 : index
    %get3A_122 = arith.constant 0 : index
    %get3A_123 = vector.load %arg23[%get3A_121, %get3A_122] : memref<1x256xf32, #tpu.memory_space<vmem>>, vector<1x256xf32>
    %add3A_124 = arith.addf %dot_general3A_120, %get3A_123 : vector<1x256xf32>
    %get3A_125 = arith.constant 0 : index
    %get3A_126 = arith.constant 0 : index
    %get3A_127 = vector.load %arg24[%get3A_125, %get3A_126] : memref<256x16xf32, #tpu.memory_space<vmem>>, vector<256x16xf32>
    %dot_general3A_128 = arith.constant dense<0.000000e+00> : vector<1x256xf32>
    %dot_general3A_129 = tpu.matmul %get3A_115, %get3A_127, %dot_general3A_128 {dimension_numbers = #tpu.dot_dimension_numbers<[1], [1], [0], [0], [0, 0, 1, 0], [], []>, transpose_lhs_hint = false} : vector<1x16xf32>, vector<256x16xf32>, vector<1x256xf32> -> vector<1x256xf32>
    %get3A_130 = arith.constant 0 : index
    %get3A_131 = arith.constant 0 : index
    %get3A_132 = vector.load %arg25[%get3A_130, %get3A_131] : memref<1x256xf32, #tpu.memory_space<vmem>>, vector<1x256xf32>
    %add3A_133 = arith.addf %dot_general3A_129, %get3A_132 : vector<1x256xf32>
    %mul3A_134 = vector.broadcast %add3A_124 : vector<1x256xf32> to vector<64x256xf32>
    %mul3A_135 = arith.mulf %reduce_max3A_110, %mul3A_134 : vector<64x256xf32>
    %add3A_136 = vector.broadcast %add3A_133 : vector<1x256xf32> to vector<64x256xf32>
    %add3A_137 = arith.addf %mul3A_135, %add3A_136 : vector<64x256xf32>
    %swap3A = arith.constant 0 : index
    %swap3A_138 = arith.constant 0 : index
    %swap3A_139 = arith.constant 0 : index
    %swap3A_140 = vector.load %arg26[%swap3A, %swap3A_138, %swap3A_139] : memref<1x64x256xf32, #tpu.memory_space<vmem>>, vector<1x64x256xf32>
    %swap3A_141 = vector.shape_cast %swap3A_140 : vector<1x64x256xf32> to vector<64x256xf32>
    %swap3A_142 = vector.shape_cast %add3A_137 : vector<64x256xf32> to vector<1x64x256xf32>
    tpu.vector_store %arg26[%swap3A, %swap3A_138, %swap3A_139], %swap3A_142 {strides = array<i32>} : memref<1x64x256xf32, #tpu.memory_space<vmem>>, vector<1x64x256xf32>,
    return
  }
  func.func @transform_0(%arg0: i32, %arg1: i32) -> (i32, i32, i32, i32) {
    %c0_i32 = arith.constant 0 : i32
    %c0_i32_0 = arith.constant 0 : i32
    %c0_i32_1 = arith.constant 0 : i32
    return %arg0, %arg1, %c0_i32, %c0_i32_0 : i32, i32, i32, i32
  }
  func.func @transform_1(%arg0: i32, %arg1: i32) -> (i32, i32, i32) {
    %c0_i32 = arith.constant 0 : i32
    %c0_i32_0 = arith.constant 0 : i32
    %c0_i32_1 = arith.constant 0 : i32
    return %arg0, %c0_i32, %c0_i32_0 : i32, i32, i32
  }
  func.func @transform_2(%arg0: i32, %arg1: i32) -> (i32, i32) {
    %c0_i32 = arith.constant 0 : i32
    %c0_i32_0 = arith.constant 0 : i32
    %c0_i32_1 = arith.constant 0 : i32
    return %c0_i32, %c0_i32_0 : i32, i32
  }
  func.func @transform_3(%arg0: i32, %arg1: i32) -> (i32, i32) {
    %c0_i32 = arith.constant 0 : i32
    %c0_i32_0 = arith.constant 0 : i32
    %c0_i32_1 = arith.constant 0 : i32
    return %c0_i32, %c0_i32_0 : i32, i32
  }
  func.func @transform_4(%arg0: i32, %arg1: i32) -> (i32, i32) {
    %c0_i32 = arith.constant 0 : i32
    %c0_i32_0 = arith.constant 0 : i32
    %c0_i32_1 = arith.constant 0 : i32
    return %c0_i32, %c0_i32_0 : i32, i32
  }
  func.func @transform_5(%arg0: i32, %arg1: i32) -> (i32, i32) {
    %c0_i32 = arith.constant 0 : i32
    %c0_i32_0 = arith.constant 0 : i32
    %c0_i32_1 = arith.constant 0 : i32
    return %c0_i32, %c0_i32_0 : i32, i32
  }
  func.func @transform_6(%arg0: i32, %arg1: i32) -> (i32, i32) {
    %c0_i32 = arith.constant 0 : i32
    %c0_i32_0 = arith.constant 0 : i32
    %c0_i32_1 = arith.constant 0 : i32
    return %c0_i32, %c0_i32_0 : i32, i32
  }
  func.func @transform_7(%arg0: i32, %arg1: i32) -> (i32, i32) {
    %c0_i32 = arith.constant 0 : i32
    %c0_i32_0 = arith.constant 0 : i32
    %c0_i32_1 = arith.constant 0 : i32
    return %c0_i32, %c0_i32_0 : i32, i32
  }
  func.func @transform_8(%arg0: i32, %arg1: i32) -> (i32, i32) {
    %c0_i32 = arith.constant 0 : i32
    %c0_i32_0 = arith.constant 0 : i32
    %c0_i32_1 = arith.constant 0 : i32
    return %c0_i32, %c0_i32_0 : i32, i32
  }
  func.func @transform_9(%arg0: i32, %arg1: i32) -> (i32, i32) {
    %c0_i32 = arith.constant 0 : i32
    %c0_i32_0 = arith.constant 0 : i32
    %c0_i32_1 = arith.constant 0 : i32
    return %c0_i32, %c0_i32_0 : i32, i32
  }
  func.func @transform_10(%arg0: i32, %arg1: i32) -> (i32, i32) {
    %c0_i32 = arith.constant 0 : i32
    %c0_i32_0 = arith.constant 0 : i32
    %c0_i32_1 = arith.constant 0 : i32
    return %c0_i32, %c0_i32_0 : i32, i32
  }
  func.func @transform_11(%arg0: i32, %arg1: i32) -> (i32, i32) {
    %c0_i32 = arith.constant 0 : i32
    %c0_i32_0 = arith.constant 0 : i32
    %c0_i32_1 = arith.constant 0 : i32
    return %c0_i32, %c0_i32_0 : i32, i32
  }
  func.func @transform_12(%arg0: i32, %arg1: i32) -> (i32, i32) {
    %c0_i32 = arith.constant 0 : i32
    %c0_i32_0 = arith.constant 0 : i32
    %c0_i32_1 = arith.constant 0 : i32
    return %c0_i32, %c0_i32_0 : i32, i32
  }
  func.func @transform_13(%arg0: i32, %arg1: i32) -> (i32, i32) {
    %c0_i32 = arith.constant 0 : i32
    %c0_i32_0 = arith.constant 0 : i32
    %c0_i32_1 = arith.constant 0 : i32
    return %c0_i32, %c0_i32_0 : i32, i32
  }
  func.func @transform_14(%arg0: i32, %arg1: i32) -> (i32, i32) {
    %c0_i32 = arith.constant 0 : i32
    %c0_i32_0 = arith.constant 0 : i32
    %c0_i32_1 = arith.constant 0 : i32
    return %c0_i32, %c0_i32_0 : i32, i32
  }
  func.func @transform_15(%arg0: i32, %arg1: i32) -> (i32, i32) {
    %c0_i32 = arith.constant 0 : i32
    %c0_i32_0 = arith.constant 0 : i32
    %c0_i32_1 = arith.constant 0 : i32
    return %c0_i32, %c0_i32_0 : i32, i32
  }
  func.func @transform_16(%arg0: i32, %arg1: i32) -> (i32, i32) {
    %c0_i32 = arith.constant 0 : i32
    %c0_i32_0 = arith.constant 0 : i32
    %c0_i32_1 = arith.constant 0 : i32
    return %c0_i32, %c0_i32_0 : i32, i32
  }
  func.func @transform_17(%arg0: i32, %arg1: i32) -> (i32, i32) {
    %c0_i32 = arith.constant 0 : i32
    %c0_i32_0 = arith.constant 0 : i32
    %c0_i32_1 = arith.constant 0 : i32
    return %c0_i32, %c0_i32_0 : i32, i32
  }
  func.func @transform_18(%arg0: i32, %arg1: i32) -> (i32, i32) {
    %c0_i32 = arith.constant 0 : i32
    %c0_i32_0 = arith.constant 0 : i32
    %c0_i32_1 = arith.constant 0 : i32
    return %c0_i32, %c0_i32_0 : i32, i32
  }
  func.func @transform_19(%arg0: i32, %arg1: i32) -> (i32, i32) {
    %c0_i32 = arith.constant 0 : i32
    %c0_i32_0 = arith.constant 0 : i32
    %c0_i32_1 = arith.constant 0 : i32
    return %c0_i32, %c0_i32_0 : i32, i32
  }
  func.func @transform_20(%arg0: i32, %arg1: i32) -> (i32, i32) {
    %c0_i32 = arith.constant 0 : i32
    %c0_i32_0 = arith.constant 0 : i32
    %c0_i32_1 = arith.constant 0 : i32
    return %c0_i32, %c0_i32_0 : i32, i32
  }
  func.func @transform_21(%arg0: i32, %arg1: i32) -> (i32, i32) {
    %c0_i32 = arith.constant 0 : i32
    %c0_i32_0 = arith.constant 0 : i32
    %c0_i32_1 = arith.constant 0 : i32
    return %c0_i32, %c0_i32_0 : i32, i32
  }
  func.func @transform_22(%arg0: i32, %arg1: i32) -> (i32, i32) {
    %c0_i32 = arith.constant 0 : i32
    %c0_i32_0 = arith.constant 0 : i32
    %c0_i32_1 = arith.constant 0 : i32
    return %c0_i32, %c0_i32_0 : i32, i32
  }
  func.func @transform_23(%arg0: i32, %arg1: i32) -> (i32, i32) {
    %c0_i32 = arith.constant 0 : i32
    %c0_i32_0 = arith.constant 0 : i32
    %c0_i32_1 = arith.constant 0 : i32
    return %c0_i32, %c0_i32_0 : i32, i32
  }
  func.func @transform_24(%arg0: i32, %arg1: i32) -> (i32, i32, i32) {
    %c0_i32 = arith.constant 0 : i32
    %c0_i32_0 = arith.constant 0 : i32
    return %arg0, %arg1, %c0_i32 : i32, i32, i32
  }
}

module attributes {stable_mosaic.version = 14 : i64} {
  func.func @_global_body(%arg0: i32, %arg1: memref<1x256x259xf32, #tpu.memory_space<vmem>>, %arg2: memref<1x1x16xf32, #tpu.memory_space<vmem>>, %arg3: memref<256x259xf32, #tpu.memory_space<vmem>>, %arg4: memref<1x256xf32, #tpu.memory_space<vmem>>, %arg5: memref<1x256xf32, #tpu.memory_space<vmem>>, %arg6: memref<1x256xf32, #tpu.memory_space<vmem>>, %arg7: memref<1x256xf32, #tpu.memory_space<vmem>>, %arg8: memref<1x256xf32, #tpu.memory_space<vmem>>, %arg9: memref<512x256xf32, #tpu.memory_space<vmem>>, %arg10: memref<1x512xf32, #tpu.memory_space<vmem>>, %arg11: memref<1x512xf32, #tpu.memory_space<vmem>>, %arg12: memref<1x512xf32, #tpu.memory_space<vmem>>, %arg13: memref<1x512xf32, #tpu.memory_space<vmem>>, %arg14: memref<1x512xf32, #tpu.memory_space<vmem>>, %arg15: memref<1024x512xf32, #tpu.memory_space<vmem>>, %arg16: memref<1x1024xf32, #tpu.memory_space<vmem>>, %arg17: memref<1x1024xf32, #tpu.memory_space<vmem>>, %arg18: memref<1x1024xf32, #tpu.memory_space<vmem>>, %arg19: memref<1x1024xf32, #tpu.memory_space<vmem>>, %arg20: memref<1x1024xf32, #tpu.memory_space<vmem>>, %arg21: memref<1024x16xf32, #tpu.memory_space<vmem>>, %arg22: memref<1x1024xf32, #tpu.memory_space<vmem>>, %arg23: memref<1024x16xf32, #tpu.memory_space<vmem>>, %arg24: memref<1x1024xf32, #tpu.memory_space<vmem>>, %arg25: memref<256x1024xf32, #tpu.memory_space<vmem>>, %arg26: memref<1x256xf32, #tpu.memory_space<vmem>>, %arg27: memref<1x1x256xf32, #tpu.memory_space<vmem>>) attributes {dimension_semantics = [#tpu.dimension_semantics<arbitrary>], iteration_bounds = array<i64: 8>, scalar_prefetch = 0 : i64, scratch_operands = 0 : i64, tpu.core_type = #tpu.core_type<tc>, window_params = [{transform_indices = @transform_0, window_bounds = array<i64: 1, 256, 259>}, {transform_indices = @transform_1, window_bounds = array<i64: 1, 1, 16>}, {pipeline_mode = #tpu.pipeline_mode<synchronous>, transform_indices = @transform_2, window_bounds = array<i64: 256, 259>}, {pipeline_mode = #tpu.pipeline_mode<synchronous>, transform_indices = @transform_3, window_bounds = array<i64: 1, 256>}, {pipeline_mode = #tpu.pipeline_mode<synchronous>, transform_indices = @transform_4, window_bounds = array<i64: 1, 256>}, {pipeline_mode = #tpu.pipeline_mode<synchronous>, transform_indices = @transform_5, window_bounds = array<i64: 1, 256>}, {pipeline_mode = #tpu.pipeline_mode<synchronous>, transform_indices = @transform_6, window_bounds = array<i64: 1, 256>}, {pipeline_mode = #tpu.pipeline_mode<synchronous>, transform_indices = @transform_7, window_bounds = array<i64: 1, 256>}, {pipeline_mode = #tpu.pipeline_mode<synchronous>, transform_indices = @transform_8, window_bounds = array<i64: 512, 256>}, {pipeline_mode = #tpu.pipeline_mode<synchronous>, transform_indices = @transform_9, window_bounds = array<i64: 1, 512>}, {pipeline_mode = #tpu.pipeline_mode<synchronous>, transform_indices = @transform_10, window_bounds = array<i64: 1, 512>}, {pipeline_mode = #tpu.pipeline_mode<synchronous>, transform_indices = @transform_11, window_bounds = array<i64: 1, 512>}, {pipeline_mode = #tpu.pipeline_mode<synchronous>, transform_indices = @transform_12, window_bounds = array<i64: 1, 512>}, {pipeline_mode = #tpu.pipeline_mode<synchronous>, transform_indices = @transform_13, window_bounds = array<i64: 1, 512>}, {pipeline_mode = #tpu.pipeline_mode<synchronous>, transform_indices = @transform_14, window_bounds = array<i64: 1024, 512>}, {pipeline_mode = #tpu.pipeline_mode<synchronous>, transform_indices = @transform_15, window_bounds = array<i64: 1, 1024>}, {pipeline_mode = #tpu.pipeline_mode<synchronous>, transform_indices = @transform_16, window_bounds = array<i64: 1, 1024>}, {pipeline_mode = #tpu.pipeline_mode<synchronous>, transform_indices = @transform_17, window_bounds = array<i64: 1, 1024>}, {pipeline_mode = #tpu.pipeline_mode<synchronous>, transform_indices = @transform_18, window_bounds = array<i64: 1, 1024>}, {pipeline_mode = #tpu.pipeline_mode<synchronous>, transform_indices = @transform_19, window_bounds = array<i64: 1, 1024>}, {pipeline_mode = #tpu.pipeline_mode<synchronous>, transform_indices = @transform_20, window_bounds = array<i64: 1024, 16>}, {pipeline_mode = #tpu.pipeline_mode<synchronous>, transform_indices = @transform_21, window_bounds = array<i64: 1, 1024>}, {pipeline_mode = #tpu.pipeline_mode<synchronous>, transform_indices = @transform_22, window_bounds = array<i64: 1024, 16>}, {pipeline_mode = #tpu.pipeline_mode<synchronous>, transform_indices = @transform_23, window_bounds = array<i64: 1, 1024>}, {pipeline_mode = #tpu.pipeline_mode<synchronous>, transform_indices = @transform_24, window_bounds = array<i64: 256, 1024>}, {pipeline_mode = #tpu.pipeline_mode<synchronous>, transform_indices = @transform_25, window_bounds = array<i64: 1, 256>}, {transform_indices = @transform_26, window_bounds = array<i64: 1, 1, 256>}]} {
    %get3A = arith.constant 0 : index
    %get3A_0 = arith.constant 0 : index
    %get3A_1 = arith.constant 0 : index
    %get3A_2 = vector.load %arg1[%get3A, %get3A_0, %get3A_1] : memref<1x256x259xf32, #tpu.memory_space<vmem>>, vector<1x256x259xf32>
    %get3A_3 = vector.shape_cast %get3A_2 : vector<1x256x259xf32> to vector<256x259xf32>
    %get3A_4 = arith.constant 0 : index
    %get3A_5 = arith.constant 0 : index
    %get3A_6 = vector.load %arg3[%get3A_4, %get3A_5] : memref<256x259xf32, #tpu.memory_space<vmem>>, vector<256x259xf32>
    %get3A_7 = arith.constant 0 : index
    %get3A_8 = arith.constant 0 : index
    %get3A_9 = vector.load %arg4[%get3A_7, %get3A_8] : memref<1x256xf32, #tpu.memory_space<vmem>>, vector<1x256xf32>
    %get3A_10 = arith.constant 0 : index
    %get3A_11 = arith.constant 0 : index
    %get3A_12 = vector.load %arg5[%get3A_10, %get3A_11] : memref<1x256xf32, #tpu.memory_space<vmem>>, vector<1x256xf32>
    %get3A_13 = arith.constant 0 : index
    %get3A_14 = arith.constant 0 : index
    %get3A_15 = vector.load %arg6[%get3A_13, %get3A_14] : memref<1x256xf32, #tpu.memory_space<vmem>>, vector<1x256xf32>
    %get3A_16 = arith.constant 0 : index
    %get3A_17 = arith.constant 0 : index
    %get3A_18 = vector.load %arg7[%get3A_16, %get3A_17] : memref<1x256xf32, #tpu.memory_space<vmem>>, vector<1x256xf32>
    %get3A_19 = arith.constant 0 : index
    %get3A_20 = arith.constant 0 : index
    %get3A_21 = vector.load %arg8[%get3A_19, %get3A_20] : memref<1x256xf32, #tpu.memory_space<vmem>>, vector<1x256xf32>
    %dot_general3A = arith.constant dense<0.000000e+00> : vector<256x256xf32>
    %dot_general3A_22 = tpu.matmul %get3A_3, %get3A_6, %dot_general3A {dimension_numbers = #tpu.dot_dimension_numbers<[1], [1], [0], [0], [0, 0, 1, 0], [], []>, transpose_lhs_hint = false} : vector<256x259xf32>, vector<256x259xf32>, vector<256x256xf32> -> vector<256x256xf32>
    %add3A = vector.broadcast %get3A_9 : vector<1x256xf32> to vector<256x256xf32>
    %add3A_23 = arith.addf %dot_general3A_22, %add3A : vector<256x256xf32>
    %sub3A = vector.broadcast %get3A_18 : vector<1x256xf32> to vector<256x256xf32>
    %sub3A_24 = arith.subf %add3A_23, %sub3A : vector<256x256xf32>
    %add3A_25 = arith.constant 9.99999974E-6 : f32
    %add3A_26 = vector.broadcast %add3A_25 : f32 to vector<1x256xf32>
    %add3A_27 = arith.addf %get3A_21, %add3A_26 : vector<1x256xf32>
    %sqrt3A = math.sqrt %add3A_27 : vector<1x256xf32>
    %div3A = vector.broadcast %sqrt3A : vector<1x256xf32> to vector<256x256xf32>
    %div3A_28 = arith.divf %sub3A_24, %div3A : vector<256x256xf32>
    %mul3A = vector.broadcast %get3A_12 : vector<1x256xf32> to vector<256x256xf32>
    %mul3A_29 = arith.mulf %div3A_28, %mul3A : vector<256x256xf32>
    %add3A_30 = vector.broadcast %get3A_15 : vector<1x256xf32> to vector<256x256xf32>
    %add3A_31 = arith.addf %mul3A_29, %add3A_30 : vector<256x256xf32>
    %max3A = arith.constant 0.000000e+00 : f32
    %max3A_32 = vector.broadcast %max3A : f32 to vector<256x256xf32>
    %max3A_33 = arith.maximumf %add3A_31, %max3A_32 : vector<256x256xf32>
    %get3A_34 = arith.constant 0 : index
    %get3A_35 = arith.constant 0 : index
    %get3A_36 = vector.load %arg9[%get3A_34, %get3A_35] : memref<512x256xf32, #tpu.memory_space<vmem>>, vector<512x256xf32>
    %get3A_37 = arith.constant 0 : index
    %get3A_38 = arith.constant 0 : index
    %get3A_39 = vector.load %arg10[%get3A_37, %get3A_38] : memref<1x512xf32, #tpu.memory_space<vmem>>, vector<1x512xf32>
    %get3A_40 = arith.constant 0 : index
    %get3A_41 = arith.constant 0 : index
    %get3A_42 = vector.load %arg11[%get3A_40, %get3A_41] : memref<1x512xf32, #tpu.memory_space<vmem>>, vector<1x512xf32>
    %get3A_43 = arith.constant 0 : index
    %get3A_44 = arith.constant 0 : index
    %get3A_45 = vector.load %arg12[%get3A_43, %get3A_44] : memref<1x512xf32, #tpu.memory_space<vmem>>, vector<1x512xf32>
    %get3A_46 = arith.constant 0 : index
    %get3A_47 = arith.constant 0 : index
    %get3A_48 = vector.load %arg13[%get3A_46, %get3A_47] : memref<1x512xf32, #tpu.memory_space<vmem>>, vector<1x512xf32>
    %get3A_49 = arith.constant 0 : index
    %get3A_50 = arith.constant 0 : index
    %get3A_51 = vector.load %arg14[%get3A_49, %get3A_50] : memref<1x512xf32, #tpu.memory_space<vmem>>, vector<1x512xf32>
    %dot_general3A_52 = arith.constant dense<0.000000e+00> : vector<256x512xf32>
    %dot_general3A_53 = tpu.matmul %max3A_33, %get3A_36, %dot_general3A_52 {dimension_numbers = #tpu.dot_dimension_numbers<[1], [1], [0], [0], [0, 0, 1, 0], [], []>, transpose_lhs_hint = false} : vector<256x256xf32>, vector<512x256xf32>, vector<256x512xf32> -> vector<256x512xf32>
    %add3A_54 = vector.broadcast %get3A_39 : vector<1x512xf32> to vector<256x512xf32>
    %add3A_55 = arith.addf %dot_general3A_53, %add3A_54 : vector<256x512xf32>
    %sub3A_56 = vector.broadcast %get3A_48 : vector<1x512xf32> to vector<256x512xf32>
    %sub3A_57 = arith.subf %add3A_55, %sub3A_56 : vector<256x512xf32>
    %add3A_58 = arith.constant 9.99999974E-6 : f32
    %add3A_59 = vector.broadcast %add3A_58 : f32 to vector<1x512xf32>
    %add3A_60 = arith.addf %get3A_51, %add3A_59 : vector<1x512xf32>
    %sqrt3A_61 = math.sqrt %add3A_60 : vector<1x512xf32>
    %div3A_62 = vector.broadcast %sqrt3A_61 : vector<1x512xf32> to vector<256x512xf32>
    %div3A_63 = arith.divf %sub3A_57, %div3A_62 : vector<256x512xf32>
    %mul3A_64 = vector.broadcast %get3A_42 : vector<1x512xf32> to vector<256x512xf32>
    %mul3A_65 = arith.mulf %div3A_63, %mul3A_64 : vector<256x512xf32>
    %add3A_66 = vector.broadcast %get3A_45 : vector<1x512xf32> to vector<256x512xf32>
    %add3A_67 = arith.addf %mul3A_65, %add3A_66 : vector<256x512xf32>
    %max3A_68 = arith.constant 0.000000e+00 : f32
    %max3A_69 = vector.broadcast %max3A_68 : f32 to vector<256x512xf32>
    %max3A_70 = arith.maximumf %add3A_67, %max3A_69 : vector<256x512xf32>
    %get3A_71 = arith.constant 0 : index
    %get3A_72 = arith.constant 0 : index
    %get3A_73 = vector.load %arg15[%get3A_71, %get3A_72] : memref<1024x512xf32, #tpu.memory_space<vmem>>, vector<1024x512xf32>
    %get3A_74 = arith.constant 0 : index
    %get3A_75 = arith.constant 0 : index
    %get3A_76 = vector.load %arg16[%get3A_74, %get3A_75] : memref<1x1024xf32, #tpu.memory_space<vmem>>, vector<1x1024xf32>
    %get3A_77 = arith.constant 0 : index
    %get3A_78 = arith.constant 0 : index
    %get3A_79 = vector.load %arg17[%get3A_77, %get3A_78] : memref<1x1024xf32, #tpu.memory_space<vmem>>, vector<1x1024xf32>
    %get3A_80 = arith.constant 0 : index
    %get3A_81 = arith.constant 0 : index
    %get3A_82 = vector.load %arg18[%get3A_80, %get3A_81] : memref<1x1024xf32, #tpu.memory_space<vmem>>, vector<1x1024xf32>
    %get3A_83 = arith.constant 0 : index
    %get3A_84 = arith.constant 0 : index
    %get3A_85 = vector.load %arg19[%get3A_83, %get3A_84] : memref<1x1024xf32, #tpu.memory_space<vmem>>, vector<1x1024xf32>
    %get3A_86 = arith.constant 0 : index
    %get3A_87 = arith.constant 0 : index
    %get3A_88 = vector.load %arg20[%get3A_86, %get3A_87] : memref<1x1024xf32, #tpu.memory_space<vmem>>, vector<1x1024xf32>
    %dot_general3A_89 = arith.constant dense<0.000000e+00> : vector<256x1024xf32>
    %dot_general3A_90 = tpu.matmul %max3A_70, %get3A_73, %dot_general3A_89 {dimension_numbers = #tpu.dot_dimension_numbers<[1], [1], [0], [0], [0, 0, 1, 0], [], []>, transpose_lhs_hint = false} : vector<256x512xf32>, vector<1024x512xf32>, vector<256x1024xf32> -> vector<256x1024xf32>
    %add3A_91 = vector.broadcast %get3A_76 : vector<1x1024xf32> to vector<256x1024xf32>
    %add3A_92 = arith.addf %dot_general3A_90, %add3A_91 : vector<256x1024xf32>
    %sub3A_93 = vector.broadcast %get3A_85 : vector<1x1024xf32> to vector<256x1024xf32>
    %sub3A_94 = arith.subf %add3A_92, %sub3A_93 : vector<256x1024xf32>
    %add3A_95 = arith.constant 9.99999974E-6 : f32
    %add3A_96 = vector.broadcast %add3A_95 : f32 to vector<1x1024xf32>
    %add3A_97 = arith.addf %get3A_88, %add3A_96 : vector<1x1024xf32>
    %sqrt3A_98 = math.sqrt %add3A_97 : vector<1x1024xf32>
    %div3A_99 = vector.broadcast %sqrt3A_98 : vector<1x1024xf32> to vector<256x1024xf32>
    %div3A_100 = arith.divf %sub3A_94, %div3A_99 : vector<256x1024xf32>
    %mul3A_101 = vector.broadcast %get3A_79 : vector<1x1024xf32> to vector<256x1024xf32>
    %mul3A_102 = arith.mulf %div3A_100, %mul3A_101 : vector<256x1024xf32>
    %add3A_103 = vector.broadcast %get3A_82 : vector<1x1024xf32> to vector<256x1024xf32>
    %add3A_104 = arith.addf %mul3A_102, %add3A_103 : vector<256x1024xf32>
    %max3A_105 = arith.constant 0.000000e+00 : f32
    %max3A_106 = vector.broadcast %max3A_105 : f32 to vector<256x1024xf32>
    %max3A_107 = arith.maximumf %add3A_104, %max3A_106 : vector<256x1024xf32>
    %reduce_max3A = arith.constant dense<0xFF800000> : vector<1024xf32>
    %reduce_max3A_108 = vector.multi_reduction <maximumf>, %max3A_107, %reduce_max3A [0] : vector<256x1024xf32> to vector<1024xf32>
    %broadcast_in_dim3A = vector.shape_cast %reduce_max3A_108 : vector<1024xf32> to vector<1x1024xf32>
    %get3A_109 = arith.constant 0 : index
    %get3A_110 = arith.constant 0 : index
    %get3A_111 = arith.constant 0 : index
    %get3A_112 = vector.load %arg2[%get3A_109, %get3A_110, %get3A_111] : memref<1x1x16xf32, #tpu.memory_space<vmem>>, vector<1x1x16xf32>
    %get3A_113 = vector.shape_cast %get3A_112 : vector<1x1x16xf32> to vector<1x16xf32>
    %get3A_114 = arith.constant 0 : index
    %get3A_115 = arith.constant 0 : index
    %get3A_116 = vector.load %arg21[%get3A_114, %get3A_115] : memref<1024x16xf32, #tpu.memory_space<vmem>>, vector<1024x16xf32>
    %dot_general3A_117 = arith.constant dense<0.000000e+00> : vector<1x1024xf32>
    %dot_general3A_118 = tpu.matmul %get3A_113, %get3A_116, %dot_general3A_117 {dimension_numbers = #tpu.dot_dimension_numbers<[1], [1], [0], [0], [0, 0, 1, 0], [], []>, transpose_lhs_hint = false} : vector<1x16xf32>, vector<1024x16xf32>, vector<1x1024xf32> -> vector<1x1024xf32>
    %get3A_119 = arith.constant 0 : index
    %get3A_120 = arith.constant 0 : index
    %get3A_121 = vector.load %arg22[%get3A_119, %get3A_120] : memref<1x1024xf32, #tpu.memory_space<vmem>>, vector<1x1024xf32>
    %add3A_122 = arith.addf %dot_general3A_118, %get3A_121 : vector<1x1024xf32>
    %get3A_123 = arith.constant 0 : index
    %get3A_124 = arith.constant 0 : index
    %get3A_125 = vector.load %arg23[%get3A_123, %get3A_124] : memref<1024x16xf32, #tpu.memory_space<vmem>>, vector<1024x16xf32>
    %dot_general3A_126 = arith.constant dense<0.000000e+00> : vector<1x1024xf32>
    %dot_general3A_127 = tpu.matmul %get3A_113, %get3A_125, %dot_general3A_126 {dimension_numbers = #tpu.dot_dimension_numbers<[1], [1], [0], [0], [0, 0, 1, 0], [], []>, transpose_lhs_hint = false} : vector<1x16xf32>, vector<1024x16xf32>, vector<1x1024xf32> -> vector<1x1024xf32>
    %get3A_128 = arith.constant 0 : index
    %get3A_129 = arith.constant 0 : index
    %get3A_130 = vector.load %arg24[%get3A_128, %get3A_129] : memref<1x1024xf32, #tpu.memory_space<vmem>>, vector<1x1024xf32>
    %add3A_131 = arith.addf %dot_general3A_127, %get3A_130 : vector<1x1024xf32>
    %mul3A_132 = arith.mulf %broadcast_in_dim3A, %add3A_122 : vector<1x1024xf32>
    %add3A_133 = arith.addf %mul3A_132, %add3A_131 : vector<1x1024xf32>
    %get3A_134 = arith.constant 0 : index
    %get3A_135 = arith.constant 0 : index
    %get3A_136 = vector.load %arg25[%get3A_134, %get3A_135] : memref<256x1024xf32, #tpu.memory_space<vmem>>, vector<256x1024xf32>
    %dot_general3A_137 = arith.constant dense<0.000000e+00> : vector<1x256xf32>
    %dot_general3A_138 = tpu.matmul %add3A_133, %get3A_136, %dot_general3A_137 {dimension_numbers = #tpu.dot_dimension_numbers<[1], [1], [0], [0], [0, 0, 1, 0], [], []>, transpose_lhs_hint = false} : vector<1x1024xf32>, vector<256x1024xf32>, vector<1x256xf32> -> vector<1x256xf32>
    %get3A_139 = arith.constant 0 : index
    %get3A_140 = arith.constant 0 : index
    %get3A_141 = vector.load %arg26[%get3A_139, %get3A_140] : memref<1x256xf32, #tpu.memory_space<vmem>>, vector<1x256xf32>
    %add3A_142 = arith.addf %dot_general3A_138, %get3A_141 : vector<1x256xf32>
    %swap3A = arith.constant 0 : index
    %swap3A_143 = arith.constant 0 : index
    %swap3A_144 = arith.constant 0 : index
    %swap3A_145 = vector.load %arg27[%swap3A, %swap3A_143, %swap3A_144] : memref<1x1x256xf32, #tpu.memory_space<vmem>>, vector<1x1x256xf32>
    %swap3A_146 = vector.shape_cast %swap3A_145 : vector<1x1x256xf32> to vector<1x256xf32>
    %swap3A_147 = vector.shape_cast %add3A_142 : vector<1x256xf32> to vector<1x1x256xf32>
    tpu.vector_store %arg27[%swap3A, %swap3A_143, %swap3A_144], %swap3A_147 {strides = array<i32>} : memref<1x1x256xf32, #tpu.memory_space<vmem>>, vector<1x1x256xf32>,
    return
  }
  func.func @transform_0(%arg0: i32) -> (i32, i32, i32) {
    %c0_i32 = arith.constant 0 : i32
    %c0_i32_0 = arith.constant 0 : i32
    %c0_i32_1 = arith.constant 0 : i32
    return %arg0, %c0_i32, %c0_i32_0 : i32, i32, i32
  }
  func.func @transform_1(%arg0: i32) -> (i32, i32, i32) {
    %c0_i32 = arith.constant 0 : i32
    %c0_i32_0 = arith.constant 0 : i32
    %c0_i32_1 = arith.constant 0 : i32
    return %arg0, %c0_i32, %c0_i32_0 : i32, i32, i32
  }
  func.func @transform_2(%arg0: i32) -> (i32, i32) {
    %c0_i32 = arith.constant 0 : i32
    %c0_i32_0 = arith.constant 0 : i32
    %c0_i32_1 = arith.constant 0 : i32
    return %c0_i32, %c0_i32_0 : i32, i32
  }
  func.func @transform_3(%arg0: i32) -> (i32, i32) {
    %c0_i32 = arith.constant 0 : i32
    %c0_i32_0 = arith.constant 0 : i32
    %c0_i32_1 = arith.constant 0 : i32
    return %c0_i32, %c0_i32_0 : i32, i32
  }
  func.func @transform_4(%arg0: i32) -> (i32, i32) {
    %c0_i32 = arith.constant 0 : i32
    %c0_i32_0 = arith.constant 0 : i32
    %c0_i32_1 = arith.constant 0 : i32
    return %c0_i32, %c0_i32_0 : i32, i32
  }
  func.func @transform_5(%arg0: i32) -> (i32, i32) {
    %c0_i32 = arith.constant 0 : i32
    %c0_i32_0 = arith.constant 0 : i32
    %c0_i32_1 = arith.constant 0 : i32
    return %c0_i32, %c0_i32_0 : i32, i32
  }
  func.func @transform_6(%arg0: i32) -> (i32, i32) {
    %c0_i32 = arith.constant 0 : i32
    %c0_i32_0 = arith.constant 0 : i32
    %c0_i32_1 = arith.constant 0 : i32
    return %c0_i32, %c0_i32_0 : i32, i32
  }
  func.func @transform_7(%arg0: i32) -> (i32, i32) {
    %c0_i32 = arith.constant 0 : i32
    %c0_i32_0 = arith.constant 0 : i32
    %c0_i32_1 = arith.constant 0 : i32
    return %c0_i32, %c0_i32_0 : i32, i32
  }
  func.func @transform_8(%arg0: i32) -> (i32, i32) {
    %c0_i32 = arith.constant 0 : i32
    %c0_i32_0 = arith.constant 0 : i32
    %c0_i32_1 = arith.constant 0 : i32
    return %c0_i32, %c0_i32_0 : i32, i32
  }
  func.func @transform_9(%arg0: i32) -> (i32, i32) {
    %c0_i32 = arith.constant 0 : i32
    %c0_i32_0 = arith.constant 0 : i32
    %c0_i32_1 = arith.constant 0 : i32
    return %c0_i32, %c0_i32_0 : i32, i32
  }
  func.func @transform_10(%arg0: i32) -> (i32, i32) {
    %c0_i32 = arith.constant 0 : i32
    %c0_i32_0 = arith.constant 0 : i32
    %c0_i32_1 = arith.constant 0 : i32
    return %c0_i32, %c0_i32_0 : i32, i32
  }
  func.func @transform_11(%arg0: i32) -> (i32, i32) {
    %c0_i32 = arith.constant 0 : i32
    %c0_i32_0 = arith.constant 0 : i32
    %c0_i32_1 = arith.constant 0 : i32
    return %c0_i32, %c0_i32_0 : i32, i32
  }
  func.func @transform_12(%arg0: i32) -> (i32, i32) {
    %c0_i32 = arith.constant 0 : i32
    %c0_i32_0 = arith.constant 0 : i32
    %c0_i32_1 = arith.constant 0 : i32
    return %c0_i32, %c0_i32_0 : i32, i32
  }
  func.func @transform_13(%arg0: i32) -> (i32, i32) {
    %c0_i32 = arith.constant 0 : i32
    %c0_i32_0 = arith.constant 0 : i32
    %c0_i32_1 = arith.constant 0 : i32
    return %c0_i32, %c0_i32_0 : i32, i32
  }
  func.func @transform_14(%arg0: i32) -> (i32, i32) {
    %c0_i32 = arith.constant 0 : i32
    %c0_i32_0 = arith.constant 0 : i32
    %c0_i32_1 = arith.constant 0 : i32
    return %c0_i32, %c0_i32_0 : i32, i32
  }
  func.func @transform_15(%arg0: i32) -> (i32, i32) {
    %c0_i32 = arith.constant 0 : i32
    %c0_i32_0 = arith.constant 0 : i32
    %c0_i32_1 = arith.constant 0 : i32
    return %c0_i32, %c0_i32_0 : i32, i32
  }
  func.func @transform_16(%arg0: i32) -> (i32, i32) {
    %c0_i32 = arith.constant 0 : i32
    %c0_i32_0 = arith.constant 0 : i32
    %c0_i32_1 = arith.constant 0 : i32
    return %c0_i32, %c0_i32_0 : i32, i32
  }
  func.func @transform_17(%arg0: i32) -> (i32, i32) {
    %c0_i32 = arith.constant 0 : i32
    %c0_i32_0 = arith.constant 0 : i32
    %c0_i32_1 = arith.constant 0 : i32
    return %c0_i32, %c0_i32_0 : i32, i32
  }
  func.func @transform_18(%arg0: i32) -> (i32, i32) {
    %c0_i32 = arith.constant 0 : i32
    %c0_i32_0 = arith.constant 0 : i32
    %c0_i32_1 = arith.constant 0 : i32
    return %c0_i32, %c0_i32_0 : i32, i32
  }
  func.func @transform_19(%arg0: i32) -> (i32, i32) {
    %c0_i32 = arith.constant 0 : i32
    %c0_i32_0 = arith.constant 0 : i32
    %c0_i32_1 = arith.constant 0 : i32
    return %c0_i32, %c0_i32_0 : i32, i32
  }
  func.func @transform_20(%arg0: i32) -> (i32, i32) {
    %c0_i32 = arith.constant 0 : i32
    %c0_i32_0 = arith.constant 0 : i32
    %c0_i32_1 = arith.constant 0 : i32
    return %c0_i32, %c0_i32_0 : i32, i32
  }
  func.func @transform_21(%arg0: i32) -> (i32, i32) {
    %c0_i32 = arith.constant 0 : i32
    %c0_i32_0 = arith.constant 0 : i32
    %c0_i32_1 = arith.constant 0 : i32
    return %c0_i32, %c0_i32_0 : i32, i32
  }
  func.func @transform_22(%arg0: i32) -> (i32, i32) {
    %c0_i32 = arith.constant 0 : i32
    %c0_i32_0 = arith.constant 0 : i32
    %c0_i32_1 = arith.constant 0 : i32
    return %c0_i32, %c0_i32_0 : i32, i32
  }
  func.func @transform_23(%arg0: i32) -> (i32, i32) {
    %c0_i32 = arith.constant 0 : i32
    %c0_i32_0 = arith.constant 0 : i32
    %c0_i32_1 = arith.constant 0 : i32
    return %c0_i32, %c0_i32_0 : i32, i32
  }
  func.func @transform_24(%arg0: i32) -> (i32, i32) {
    %c0_i32 = arith.constant 0 : i32
    %c0_i32_0 = arith.constant 0 : i32
    %c0_i32_1 = arith.constant 0 : i32
    return %c0_i32, %c0_i32_0 : i32, i32
  }
  func.func @transform_25(%arg0: i32) -> (i32, i32) {
    %c0_i32 = arith.constant 0 : i32
    %c0_i32_0 = arith.constant 0 : i32
    %c0_i32_1 = arith.constant 0 : i32
    return %c0_i32, %c0_i32_0 : i32, i32
  }
  func.func @transform_26(%arg0: i32) -> (i32, i32, i32) {
    %c0_i32 = arith.constant 0 : i32
    %c0_i32_0 = arith.constant 0 : i32
    %c0_i32_1 = arith.constant 0 : i32
    return %arg0, %c0_i32, %c0_i32_0 : i32, i32, i32
  }
}

</mosaic_0001>

<sc_bundles>
// kernel: sparse-core-data-format-call.cloned.1.call-start
scs
called_computation_lowered:
.L_overlay_start_0:
0x0: {  	s1 =	sld [smem:$0x3FD9]  }
0x1: {  	s2 =	sld [smem:$0x3FFE];
	_ =	sdelay $0x1  }
0x2: {  	s3 =	srdreg.scid  }
0x3: {  	s0 =	sand.u32 $0x1, s3  }
0x4: {  	s17 =	sshll.u32 s0, $0xA;
	s1 =	sadd.s32 s2, s1  }
0x5: {  	s1 =	sadd.s32 s1, s17  }
0x6: {  	[smem:$0x3F82] =	sst s1  }
0x7: {  	_ = 	snop  }
0x8: {  	(tm) =	ssettm $0x1  }
0x9: {  	s18 =	sld [smem:$0x3FFB];
	_ =	sdelay $0x3  }
0xa: {  	_ =	strace s18  }
0xb: {  	s1 =	sld [smem:$0x3FFC];
	_ =	sdelay $0x3  }
0xc: {  	_ =	strace s1  }
0xd: {  	s1 =	sld [smem:$0x3FFD];
	_ =	sdelay $0x3  }
0xe: {  	_ =	strace s1  }
0xf: {  	_ =	strace $0x8FFFFFFF  }
0x10: {  	s19 =	sld [smem:$0x3FDB];
	_ =	sdelay $0x1  }
0x11: {  	s20 =	simm.s32 $_scs_section_size  }
0x12: {  	s4 =	simm.s32 $_size__tile_overlayer_lowered;
	s5 =	simm.s32 $_tile_overlayer_lowered  }
0x13: {  	s23 =	simm.s32 $0x1BFF;
	s22 =	sshll.u32 s5, $0x1;
	s1 =	sadd.s32 s20, s19  }
0x14: {  	s6 =	simm.s32 $0x0;
	s21 =	sshll.u32 s4, $0x1;
	s4 =	sadd.s32 s22, s1  }
0x15: {  	[timem:s6], [sflag:s23] =	dma.local [hbm:s4], s21  }
0x16: {  	_ =	swait.ge [sflag:s23], s21  }
0x17: {  	s2 =	ssub.s32 $0x0, s21;
	[sflag:s23] =	ssyncset.done $0x0  }
0x18: {  	[sflag:s23] =	ssyncadd.s32 s2;
	_ =	sdelay $0x1  }
0x19: {  	s24 =	simm.s32 $0x1B8B  }
0x1a: {  	_ =	swait.ge [sflag:s24], $0x1  }
0x1b: {  	[sflag:s24] =	ssyncset.done $0x0  }
0x1c: {  	s26 =	simm.s32 $0x1B8E;
	s25 =	sld [smem:$0x3FFE];
	[sflag:s24] =	ssyncadd.s32 $0xFFFFFFFF  }
0x1d: {  	s27 =	simm.s32 $execute0_lowered;
	[smem:$0x3FD2] =	sst s26  }
0x1e: {  	s4 =	sshll.u32 s27, $0x1;
	_ =	strace $0x80000046;
	[dreg:$0x1] =	wrdreg $0xFFFFFFFF  }
0x1f: {  	s28 =	simm.s32 $_size_execute0_lowered;
	s1 =	sadd.s32 s1, s4;
	[dreg:$0x0] =	wrdreg $0x0  }
0x20: {  	s4 =	sshll.u32 s28, $0x1;
	[dreg:$0x2] =	wrdreg s1  }
0x21: {  	[dreg:$0x3] =	wrdreg s4  }
0x22: {  	[dreg:$0x4] =	wrdreg $0xC0  }
0x23: {  	_ =	task [dreg:s6], $0x5FFFF  }
0x24: {  	[dreg:$0x1] =	wrdreg $0xFFFFFFFF  }
0x25: {  	[dreg:$0x0] =	wrdreg $0x60  }
0x26: {  	[dreg:$0x2] =	wrdreg s25  }
0x27: {  	[dreg:$0x3] =	wrdreg $0x9  }
0x28: {  	_ =	task.clear_ibuf [dreg:s6], $0x4FFFF;
	_ =	strace $0x90000046  }
0x29: {  	s29 =	simm.s32 $0x9;
	_ =	strace $0x80000048  }
0x2a: {  	_ =	swait.ge [sflag:s29], $0x1  }
0x2b: {  	[sflag:s29] =	ssyncadd.s32 $0xFFFFFFFF  }
0x2c: {  	_ =	strace $0x90000048  }
0x2d: {  	_ =	sfence  }
0x2e: {  	s30 =	sld [smem:$0x0];
	_ =	sdelay $0x2  }
0x2f: {  	s31 =	sshll.u32 s3, $0xD;
	s3 =	sshrl.u32 s3, $0x2  }
0x30: {  	s2 =	sand.u32 $0x4000, s31;
	s1 =	sadd.s32 s3, s30  }
0x31: {  	s0 =	sor.u32 s2, s0;
	s1 =	sshll.u32 s1, $0x11  }
0x32: {  	s0 =	sor.u32 s1, s0  }
0x33: {  	s0 =	sadd.s32 $0x8F2B, s0  }
0x34: {  	[sflag:s0] =	ssyncadd.remote.s32 $0x1  }
0x35: {  	_ =	sfence.sel $0xFFFF  }
0x36: {  	[dreg:$0x0] =	wrdreg $0xFFFFFFFF;
	(pc) =	sbr.abs _section_cstart, $3  }
0x37: {  	[dreg:$0x1] =	wrdreg $0xFFFFFFFF  }
0x38: {  	_ =	task.clear_ibuf [dreg:s6], $0x2FFFF;
	_ =	strace $0x9FFFFFFF  }
0x39: {  	(tm) =	ssettm $0x7FFFFFFF  }
tec
execute0_lowered:
.L_overlay_start_1:
0x0: {  	(tag) =	ssettag $0x1  }
0x1: {  	s0 =	stileid.u32;
	s1 =	srdreg.scid  }
0x2: {  	s4 =	rddreg [dreg:$0x0];
	s7 =	simm.s32 $0x1;
	s31 =	simm.s32 $0x2  }
0x3: {  	s16 =	simm.s32 $0x0;
	s2 =	sshll.u32 s0, $0x4;
	s1 =	sshll.u32 s1, $0x8  }
0x4: {  	s9 =	simm.s32 $0x1000;
	s14 =	simm.s32 $0x0;
	s1 =	sor.u32 s2, s1  }
0x5: {  	s15 =	simm.s32 $0x0;
	s10 =	simm.s32 $0x0;
	s2 =	sand.u32 $0x180, s1  }
0x6: {  	s13 =	simm.s32 $0x0;
	s3 =	sadd.s32 $0x9800, s4;
	s5 =	ssub.s32 $0x200, s2  }
0x7: {  	s4 =	sadd.s32 $0x809800, s4;
	s1 =	rddreg [dreg:$0x1];
	s6 =	sand.u32 $0x180, s5  }
.Ltmp0:
0x8: {  	_ =	strace $0x80000047;
	p0 =	sne.s32 s6, $0x0;
	(pc) =	sbr.rel .LBB1_1-.Ltmp0, $4  }
0x9: {  	s11 =	smov.u32 s2;
	s8 =	sshrl.u32 s5, $0x9;
	s7 =	simm.s32 @!p0 $0x0  }
0xa: {  	s5 =	sand.u32 $0x7, s0;
	s6 =	simm.s32 $0x1;
	s7 =	sadd.s32 s7, s8  }
0xb: {  	s12 =	smov.u32 s5;
	[sflag:s6] =	ssyncpa.u1 $0x0;
	s7 =	sshll.u32 s7, $0x7  }
0xc: {  	p0 =	por $0x0, $0x0;
	[sflag:s31] =	ssyncpa.u1 $0x0;
	s8 =	sor.u32 $0x1, s7  }
.LBB1_4:
0xd: {  	v5 =	vld [tilespmem:s19+$0xFFFFFFD0]  }
0xe: {  	[tilespmem:s20+$0x2040 ss:$0x81] =	vst.msk $0xffff, v1;
	v58 =	vld [tilespmem:s19+$0xFFFFFFE0]  }
0xf: {  	[tilespmem:s20+$0x2850 ss:$0x81] =	vst.msk $0xffff, v2;
	v59 =	vld [tilespmem:s19+$0xFFFFFFF0]  }
0x10: {  	s21 =	sshra.s32 s21, $0x2;
	[tilespmem:s20+$0x3060 ss:$0x81] =	vst.msk $0xffff, v3;
	v60 =	vld [tilespmem:s19+$0x0]  }
0x11: {  	[tilespmem:s20+$0x0 ss:$0x81] =	vst.msk $0xffff, v0;
	v61 =	vld [tilespmem:s19+$0x10];
	s18 =	sadd.s32 s21, s18  }
0x12: {  	s25 =	sshll.u32 s16, $0x9;
	v62 =	vld [tilespmem:s19+$0x20];
	[tilespmem:s18+$0x3870 ss:$0x81] =	vst.msk $0xffff, v4  }
0x13: {  	s26 =	sshll.u32 s14, $0x3;
	s27 =	sshll.u32 s16, $0x7;
	v63 =	vld [tilespmem:s19+$0xFFFFFFC0];
	s30 =	sand.u32 $0x78, s14;
	[tilespmem:s18+$0x810 ss:$0x81] =	vst.msk $0xffff, v5  }
0x14: {  	s15 =	sshll.u32 s15, $0x14;
	s20 =	sand.u32 $0x7FF000, s25;
	s21 =	sand.u32 $0x7FFC00, s26;
	[tilespmem:s18+$0x1020 ss:$0x81] =	vst.msk $0xffff, v58  }
0x15: {  	s29 =	sand.u32 $0x200, s27;
	s16 =	sand.u32 $0x180, s27;
	s28 =	sadd.s32 s21, s20;
	[tilespmem:s18+$0x1830 ss:$0x81] =	vst.msk $0xffff, v59  }
0x16: {  	s31 =	sand.u32 $0x7, s14;
	s16 =	sor.u32 s30, s16;
	s19 =	sor.u32 s29, s28;
	[tilespmem:s18+$0x2040 ss:$0x81] =	vst.msk $0xffff, v60  }
0x17: {  	s15 =	sadd.s32 s4, s15;
	s16 =	sshrl.u32 s16, $0x3;
	s19 =	sshrl.u32 s19, $0x3;
	[tilespmem:s18+$0x2850 ss:$0x81] =	vst.msk $0xffff, v61  }
0x18: {  	s14 =	sshll.u32 s31, $0x12;
	s15 =	sadd.s32 s16, s15;
	[tilespmem:s18+$0x3060 ss:$0x81] =	vst.msk $0xffff, v62;
	s19 =	sand.u32 $0xFFFC0, s19  }
0x19: {  	s14 =	sor.u32 $0x400, s14;
	[tilespmem:s18+$0x0 ss:$0x81] =	vst.msk $0xffff, v63;
	s15 =	sadd.s32 s19, s15  }
0x1a: {  	[hbm4b:s15+s14] =	stream.strided.scatter [tilespmem:s17], [sflag:$0x2], $0x4000, s9, s14, $0x20;
	[tilespmem:$0x10100] =	vst v63  }
.LBB1_5:
0x1b: {  	s17 =	sadd.s32 $0x80, s10  }
0x1c: {  	s14 =	sadd.s32 $0x200, s11;
	s18 =	smov.u32 s11;
	p2 =	sgt.s32 s17, $0x3FFF  }
0x1d: {  	s18 =	smov.u32 @p2 s14  }
0x1e: {  	s20 =	smov.u32 s12;
	s14 =	sadd.s32 $0x8, s12;
	p3 =	sgt.s32 s18, $0x1FF  }
0x1f: {  	s20 =	smov.u32 @p3 s14  }
0x20: {  	s17 =	simm.s32 @p2 $0x0;
	p2 =	sgt.s32 s20, $0x7  }
0x21: {  	p1 =	slt.u32 s13, $0x2;
	s20 =	smov.u32 @p2 s5;
	p2 =	sne.s32 s13, s8  }
.Ltmp1:
0x22: {  	s19 =	simm.s32 @!p1 $0x2;
	(pc) =	sbr.rel @!p2 .LBB1_6-.Ltmp1, $4  }
0x23: {  	s16 =	smov.u32 s10;
	s15 =	smov.u32 s12;
	_ =	swait.ge @!p1 [sflag:s19], $0x4000  }
0x24: {  	p0 =	por !p0, !p0;
	[sflag:s19] =	ssyncset.done @!p1 $0x0;
	s10 =	smov.u32 s17  }
0x25: {  	s18 =	smov.u32 @p3 s2;
	s14 =	smov.u32 s11;
	[sflag:s19] =	ssyncadd.s32 @!p1 $0xFFFFC000  }
0x26: {  	s11 =	smov.u32 s18;
	s13 =	sadd.s32 $0x1, s13;
	s12 =	smov.u32 s20  }
.LBB1_1:
0x27: {  	p1 =	sge.u32 s13, s7;
	s31 =	sadd.s32 $0xFFFFFFFF, s13  }
0x28: {  	s17 =	sxor.u32 @!p1 $0xFFFFFFFF, s13;
	s18 =	sand.u32 @!p1 $0x78, s10;
	s19 =	sshll.u32 @!p1 s11, $0xE  }
0x29: {  	s20 =	sshll.u32 @!p1 s11, $0x7;
	s21 =	sshll.u32 @!p1 s10, $0x3;
	s17 =	sshll.u32 @!p1 s17, $0xE  }
0x2a: {  	s19 =	sand.u32 @!p1 $0x7E0000, s19;
	s20 =	sand.u32 @!p1 $0x380, s20;
	s17 =	sand.u32 @!p1 $0x4000, s17  }
0x2b: {  	s19 =	sadd.s32 @!p1 s19, s21;
	s21 =	sand.u32 @!p1 $0x3C00, s21;
	s18 =	sor.u32 @!p1 s20, s18  }
0x2c: {  	s20 =	sshll.u32 @!p1 s12, $0x14;
	s18 =	sor.u32 @!p1 s21, s18;
	s19 =	sshrl.u32 @!p1 s19, $0x3  }
0x2d: {  	s20 =	sadd.s32 @!p1 s3, s20;
	s21 =	sand.u32 @!p1 $0x7, s10;
	s19 =	sand.u32 @!p1 $0xFF800, s19  }
0x2e: {  	s18 =	sshrl.u32 @!p1 s18, $0x3;
	s19 =	sadd.s32 @!p1 s19, s20;
	s20 =	sshll.u32 @!p1 s21, $0x12  }
0x2f: {  	s18 =	sadd.s32 @!p1 s18, s19;
	s19 =	sor.u32 @!p1 $0x400, s20;
	s20 =	simm.s32 @!p1 $0x20000  }
0x30: {  	[tilespmem:s17], [sflag:$0x1] =	stream.strided.gather @!p1 [hbm4b:s18+s19], $0x4000, s20, s19, $0x38;
	[tilespmem:$0x10100] =	vst v63  }
0x31: {  	p1 =	sge.u32 s31, s7  }
.Ltmp2:
0x32: {  	_ = 	snop;
	(pc) =	sbr.rel @p1 .LBB1_5-.Ltmp2, $1  }
0x33: {  	_ =	sdelay $0x3  }
0x34: {  	s17 =	simm.s32 $0x1  }
0x35: {  	_ =	swait.ge [sflag:s6], $0x4000;
	s17 =	simm.s32 @!p0 $0x0  }
0x36: {  	[sflag:s6] =	ssyncset.done $0x0;
	s18 =	sshll.u32 s17, $0xE  }
0x37: {  	[sflag:s6] =	ssyncadd.s32 $0xFFFFC000;
	s19 =	sor.u32 $0x40, s18  }
0x38: {  	s17 =	smul.u32 $0x10200, s17;
	v0 =	vld [tilespmem:s19+$0x30]  }
0x39: {  	v3 =	vld [tilespmem:s19+$0xFFFFFFD0]  }
0x3a: {  	s17 =	sshrl.u32 s17, $0x2;
	v4 =	vld [tilespmem:s19+$0xFFFFFFE0]  }
0x3b: {  	v5 =	vld [tilespmem:s19+$0xFFFFFFF0];
	s18 =	sor.u32 $0x8000, s17  }
0x3c: {  	s31 =	sand.u32 $0x1, s13;
	v1 =	vld [tilespmem:s19+$0x0];
	s20 =	sadd.s32 $0x0, s18  }
0x3d: {  	v2 =	vld [tilespmem:s19+$0x10];
	s17 =	smul.u32 $0x10200, s31;
	[tilespmem:s20+$0x3870 ss:$0x81] =	vst.msk $0xffff, v0  }
0x3e: {  	[tilespmem:s20+$0x810 ss:$0x81] =	vst.msk $0xffff, v3;
	v3 =	vld [tilespmem:s19+$0x20]  }
0x3f: {  	s17 =	sshrl.u32 s17, $0x2;
	v0 =	vld [tilespmem:s19+$0xFFFFFFC0];
	[tilespmem:s20+$0x1020 ss:$0x81] =	vst.msk $0xffff, v4;
	s19 =	sadd.s32 $0x80, s19  }
0x40: {  	s21 =	simm.s32 $0x4;
	s22 =	simm.s32 $0x8;
	s17 =	sor.u32 $0x8000, s17;
	[tilespmem:s20+$0x1830 ss:$0x81] =	vst.msk $0xffff, v5;
	v4 =	vld [tilespmem:s19+$0x30]  }
.LBB1_3:
0x41: {  	p1 =	sne.s32 s22, $0x1FC;
	v5 =	vld [tilespmem:s19+$0xFFFFFFD0];
	[tilespmem:s20+$0x2040 ss:$0x81] =	vst.msk $0xffff, v1  }
0x42: {  	v6 =	vld [tilespmem:s19+$0xFFFFFFE0];
	[tilespmem:s20+$0x2850 ss:$0x81] =	vst.msk $0xffff, v2  }
0x43: {  	s23 =	sshra.s32 s21, $0x2;
	s21 =	smov.u32 s22;
	v7 =	vld [tilespmem:s19+$0xFFFFFFF0];
	[tilespmem:s20+$0x3060 ss:$0x81] =	vst.msk $0xffff, v3  }
.Ltmp3:
0x44: {  	v1 =	vld [tilespmem:s19+$0x0];
	[tilespmem:s20+$0x0 ss:$0x81] =	vst.msk $0xffff, v0;
	s20 =	sadd.s32 s23, s18;
	(pc) =	sbr.rel @p1 .LBB1_3-.Ltmp3, $4  }
0x45: {  	v2 =	vld [tilespmem:s19+$0x10];
	[tilespmem:s20+$0x3870 ss:$0x81] =	vst.msk $0xffff, v4  }
0x46: {  	[tilespmem:s20+$0x810 ss:$0x81] =	vst.msk $0xffff, v5;
	v3 =	vld [tilespmem:s19+$0x20]  }
0x47: {  	v0 =	vld [tilespmem:s19+$0xFFFFFFC0];
	[tilespmem:s20+$0x1020 ss:$0x81] =	vst.msk $0xffff, v6;
	s19 =	sadd.s32 $0x80, s19  }
0x48: {  	s22 =	sadd.s32 $0x4, s22;
	v4 =	vld [tilespmem:s19+$0x30];
	[tilespmem:s20+$0x1830 ss:$0x81] =	vst.msk $0xffff, v7  }
.Ltmp4:
0x49: {  	_ = 	snop;
	(pc) =	sbr.rel .LBB1_4-.Ltmp4, $1  }
0x4a: {  	_ =	sdelay $0x3  }
.LBB1_6:
0x4b: {  	_ =	sfence.sel $0x180000  }
0x4c: {  	s2 =	simm.s32 $0x1;
	[bflag:$0x0] =	sbarrier.arrive $0xFFFF  }
0x4d: {  	s31 =	simm.s32 $0x2;
	[sflag:s2] =	ssyncpa.u1 $0x1  }
0x4e: {  	[sflag:s31] =	ssyncpa.u1 $0x1  }
0x4f: {  	p0 =	sne.s32 s0, $0x0;
	_ =	strace $0x90000047  }
0x50: {  	s0 =	sadd.s32 @!p0 $0x100000, s1;
	[bflag:$0x2] =	sbarrier.arrive $0xFFFF  }
0x51: {  	[sflag:s0] =	ssyncadd.tile.s32 @!p0 $0x1;
	_ =	shalt  }
.Lfunc_end1:
_tile_overlayer_lowered:
.L_overlay_start_2:
0x52: {  	(tag) =	ssettag $0x2  }
0x53: {  	s0 =	rddreg [dreg:$0x0];
	s2 =	stileid.u32  }
0x54: {  	s1 =	rddreg [dreg:$0x1];
	p0 =	sne.s32 s2, $0x0  }
0x55: {  	s3 =	rddreg [dreg:$0x2];
	[bflag:$0x3] =	sbarrier.arrive $0xFFFF;
	s2 =	simm.s32 @!p0 $0x1C01  }
0x56: {  	[timem:s3], [sflag:s2] =	dma.local @!p0 [hbm:s0], s1  }
0x57: {  	s0 =	simm.s32 @!p0 $0x1  }
0x58: {  	_ =	swait.ge @!p0 [sflag:s0], s1  }
0x59: {  	s1 =	ssub.s32 @!p0 $0x0, s1;
	[sflag:s0] =	ssyncset.done @!p0 $0x0  }
0x5a: {  	[sflag:s0] =	ssyncadd.s32 @!p0 s1  }
0x5b: {  	[bflag:$0x3] =	sbarrier.arrive $0xFFFF  }
0x5c: {  	_ =	shalt  }

</sc_bundles>
